<compile_context>
chip_gen: v7x
topology: tpu7x:2x2x1
jax: 0.10.2.dev20260603
libtpu: 0.0.44.dev20260713+nightly
codegen_flags: <defaults>
</compile_context>

<pallas_src>
import functools

import jax
import jax.numpy as jnp
from jax import lax
from jax.experimental import pallas as pl
from jax.experimental.pallas import tpu as pltpu
from jax.experimental.pallas import tpu_sc as plsc

B, S, D = 4, 2048, 1024
NC, NS, L = 2, 16, 16
NW = NC * NS
ROWS_PW = S // NW
CHUNK = 8
NCH = ROWS_PW // CHUNK
NXB = 10
NPB = 3
T = NCH * B

_mesh = plsc.VectorSubcoreMesh(
    core_axis_name="c", subcore_axis_name="s", num_cores=NC, num_subcores=NS
)


@functools.partial(
    pl.kernel,
    out_type=jax.ShapeDtypeStruct((B, S, D), jnp.float32),
    mesh=_mesh,
    scratch_types=[
        pltpu.VMEM((NXB, CHUNK, D), jnp.float32),
        pltpu.VMEM((NPB, CHUNK, D), jnp.float32),
        pltpu.SemaphoreType.DMA((NXB,)),
        pltpu.SemaphoreType.DMA((NXB,)),
        pltpu.SemaphoreType.DMA((NPB,)),
    ],
)
def _pe_add(x_hbm, pe_hbm, out_hbm, xbuf, pbuf, sin, sout, spe):
    wid = lax.axis_index("s") * NC + lax.axis_index("c")
    base = wid * ROWS_PW
    vecs_per_row = D // L

    def start_in(t):
        c, b = t // B, t % B
        pltpu.async_copy(
            x_hbm.at[b, pl.ds(base + c * CHUNK, CHUNK), :],
            xbuf.at[t % NXB], sin.at[t % NXB])

    def wait_in(t):
        c, b = t // B, t % B
        pltpu.make_async_copy(
            x_hbm.at[b, pl.ds(base + c * CHUNK, CHUNK), :],
            xbuf.at[t % NXB], sin.at[t % NXB]).wait()

    def start_out(t):
        c, b = t // B, t % B
        pltpu.async_copy(
            xbuf.at[t % NXB],
            out_hbm.at[b, pl.ds(base + c * CHUNK, CHUNK), :],
            sout.at[t % NXB])

    def wait_out(t):
        c, b = t // B, t % B
        pltpu.make_async_copy(
            xbuf.at[t % NXB],
            out_hbm.at[b, pl.ds(base + c * CHUNK, CHUNK), :],
            sout.at[t % NXB]).wait()

    def start_pe(c):
        pltpu.async_copy(
            pe_hbm.at[pl.ds(base + c * CHUNK, CHUNK), :],
            pbuf.at[c % NPB], spe.at[c % NPB])

    def wait_pe(c):
        pltpu.make_async_copy(
            pe_hbm.at[pl.ds(base + c * CHUNK, CHUNK), :],
            pbuf.at[c % NPB], spe.at[c % NPB]).wait()

    start_pe(0)
    for t in range(NXB - 1):
        start_in(t)

    def tile_step(t, carry):
        c, b = t // B, t % B

        if NPB > 1:
            @pl.when(b == 0)
            def _():
                wait_pe(c)

                @pl.when(c + 1 < NCH)
                def _():
                    start_pe(c + 1)
        else:
            @pl.when(b == 0)
            def _():
                @pl.when(c >= 1)
                def _():
                    start_pe(c)

                wait_pe(c)

        wait_in(t)

        @plsc.parallel_loop(0, CHUNK * vecs_per_row, 1, unroll=8)
        def _(k):
            r = k // vecs_per_row
            col = (k % vecs_per_row) * L
            plsc.addupdate(
                xbuf.at[t % NXB, r, pl.ds(col, L)],
                pbuf[c % NPB, r, pl.ds(col, L)])

        start_out(t)

        @pl.when(t + NXB - 1 < T)
        def _():
            @pl.when(t >= 1)
            def _():
                wait_out(t - 1)

            start_in(t + NXB - 1)

        return carry

    lax.fori_loop(0, T, tile_step, 0)

    def drain(t, carry):
        wait_out(t)
        return carry

    lax.fori_loop(T - NXB, T, drain, 0)


def kernel(x, embedding_weight):
    return _pe_add(x, embedding_weight)

# --- scband reference (transcript-rebuilt; emitter-appended) ---
"""Pipeline reference for scband-trainable-linear-pe-49941879718471 (READ-ONLY COPY).

The authoritative reference and input builder live on the scoring server;
editing this copy changes nothing except your own understanding.
"""

import jax, jax.numpy as jnp
import numpy as np

BLOCK_SIZE = 2048
INPUT_SIZE = 1024
BATCH = 4


def setup_inputs(seed: int = 0) -> dict:
    key = jax.random.key(seed)
    k1, k2 = jax.random.split(key)
    x = jax.random.normal(k1, (BATCH, BLOCK_SIZE, INPUT_SIZE), dtype=jnp.float32)
    # learned positional embedding table, default nn.Embedding init ~ N(0, 1)
    embedding_weight = jax.random.normal(k2, (BLOCK_SIZE, INPUT_SIZE), dtype=jnp.float32)
    return {"x": x, "embedding_weight": embedding_weight}


def reference(x, embedding_weight):
    # position = arange(0, block_size); emb lookup is a gather over rows
    position = jnp.arange(0, BLOCK_SIZE, dtype=jnp.int32)
    pe = jnp.take(embedding_weight, position, axis=0)  # [block_size, input_size]
    return x + pe  # broadcast over batch dim

if __name__ == "__main__":
    import jax
    _d = setup_inputs()
    print(jax.jit(kernel)(*tuple(_d.values())))

</pallas_src>

<mosaic_0001>
#map = affine_map<(d0, d1) -> (0, 0, 0)>
#map1 = affine_map<(d0, d1) -> (0, 0)>
module attributes {stable_mosaic.version = 14 : i64} {
  func.func @_pe_add(%arg0: i32, %arg1: i32, %arg2: memref<4x2048x1024xf32, #tpu.memory_space<hbm>>, %arg3: memref<2048x1024xf32, #tpu.memory_space<hbm>>, %arg4: memref<4x2048x1024xf32, #tpu.memory_space<hbm>>, %arg5: memref<10x8x1024xf32, #tpu.memory_space<vmem>>, %arg6: memref<3x8x1024xf32, #tpu.memory_space<vmem>>, %arg7: memref<10x!tpu.dma_semaphore, #tpu.memory_space<semaphore_mem>>, %arg8: memref<10x!tpu.dma_semaphore, #tpu.memory_space<semaphore_mem>>, %arg9: memref<3x!tpu.dma_semaphore, #tpu.memory_space<semaphore_mem>>) attributes {dimension_semantics = [#tpu.dimension_semantics<core_parallel>, #tpu.dimension_semantics<subcore_parallel>], iteration_bounds = array<i64: 2, 16>, scalar_prefetch = 0 : i64, scratch_operands = 5 : i64, tpu.core_type = #tpu.core_type<sc_vector_subcore>, window_params = [{transform_indices = #map}, {transform_indices = #map1}, {transform_indices = #map}]} {
    %mul3A = arith.constant 2 : i32
    %mul3A_0 = arith.muli %arg1, %mul3A : i32
    %add3A = arith.addi %mul3A_0, %arg0 : i32
    %mul3A_1 = arith.constant 64 : i32
    %mul3A_2 = arith.muli %add3A, %mul3A_1 : i32
    %add3A_3 = arith.constant 0 : i32
    %add3A_4 = arith.addi %mul3A_2, %add3A_3 : i32
    %dma_start3A = arith.constant 0 : i32
    %dma_start3A_5 = arith.constant 0 : i32
    %dma_start3A_6 = arith.constant 0 : i32
    %dma_start3A_7 = arith.constant 0 : i32
    %dma_start3A_8 = tpu.memref_slice %arg6[%dma_start3A, %dma_start3A_6, %dma_start3A_7] : memref<3x8x1024xf32, #tpu.memory_space<vmem>> -> memref<1x8x1024xf32, #tpu.memory_space<vmem>>
    %dma_start3A_9 = tpu.memref_squeeze %dma_start3A_8 : memref<1x8x1024xf32, #tpu.memory_space<vmem>> -> memref<8x1024xf32, #tpu.memory_space<vmem>>
    %dma_start3A_10 = arith.constant 0 : i32
    %dma_start3A_11 = tpu.memref_slice %arg3[%add3A_4, %dma_start3A_10] : memref<2048x1024xf32, #tpu.memory_space<hbm>> -> memref<8x1024xf32, #tpu.memory_space<hbm>>
    %dma_start3A_12 = tpu.memref_slice %arg9[%dma_start3A_5] : memref<3x!tpu.dma_semaphore, #tpu.memory_space<semaphore_mem>> -> memref<1x!tpu.dma_semaphore, #tpu.memory_space<semaphore_mem>>
    %dma_start3A_13 = tpu.memref_squeeze %dma_start3A_12 : memref<1x!tpu.dma_semaphore, #tpu.memory_space<semaphore_mem>> -> memref<!tpu.dma_semaphore, #tpu.memory_space<semaphore_mem>>
    %dma_start3A_14 = arith.constant 0 : i32
    %dma_start3A_15 = arith.constant 0 : i32
    %dma_start3A_16 = tpu.memref_slice %arg6[%dma_start3A, %dma_start3A_14, %dma_start3A_15] : memref<3x8x1024xf32, #tpu.memory_space<vmem>> -> memref<1x8x1024xf32, #tpu.memory_space<vmem>>
    %dma_start3A_17 = tpu.memref_squeeze %dma_start3A_16 : memref<1x8x1024xf32, #tpu.memory_space<vmem>> -> memref<8x1024xf32, #tpu.memory_space<vmem>>
    %dma_start3A_18 = arith.constant 0 : i32
    %dma_start3A_19 = tpu.memref_slice %arg3[%add3A_4, %dma_start3A_18] : memref<2048x1024xf32, #tpu.memory_space<hbm>> -> memref<8x1024xf32, #tpu.memory_space<hbm>>
    tpu.enqueue_dma source(%dma_start3A_19 : memref<8x1024xf32, #tpu.memory_space<hbm>>) target(%dma_start3A_17 : memref<8x1024xf32, #tpu.memory_space<vmem>>) target_semaphore(%dma_start3A_13 : memref<!tpu.dma_semaphore, #tpu.memory_space<semaphore_mem>>)
    %add3A_20 = arith.constant 0 : i32
    %add3A_21 = arith.addi %mul3A_2, %add3A_20 : i32
    %dma_start3A_22 = arith.constant 0 : i32
    %dma_start3A_23 = arith.constant 0 : i32
    %dma_start3A_24 = arith.constant 0 : i32
    %dma_start3A_25 = arith.constant 0 : i32
    %dma_start3A_26 = arith.constant 0 : i32
    %dma_start3A_27 = tpu.memref_slice %arg5[%dma_start3A_23, %dma_start3A_25, %dma_start3A_26] : memref<10x8x1024xf32, #tpu.memory_space<vmem>> -> memref<1x8x1024xf32, #tpu.memory_space<vmem>>
    %dma_start3A_28 = tpu.memref_squeeze %dma_start3A_27 : memref<1x8x1024xf32, #tpu.memory_space<vmem>> -> memref<8x1024xf32, #tpu.memory_space<vmem>>
    %dma_start3A_29 = arith.constant 0 : i32
    %dma_start3A_30 = tpu.memref_slice %arg2[%dma_start3A_22, %add3A_21, %dma_start3A_29] : memref<4x2048x1024xf32, #tpu.memory_space<hbm>> -> memref<1x8x1024xf32, #tpu.memory_space<hbm>>
    %dma_start3A_31 = tpu.memref_squeeze %dma_start3A_30 : memref<1x8x1024xf32, #tpu.memory_space<hbm>> -> memref<8x1024xf32, #tpu.memory_space<hbm>>
    %dma_start3A_32 = tpu.memref_slice %arg7[%dma_start3A_24] : memref<10x!tpu.dma_semaphore, #tpu.memory_space<semaphore_mem>> -> memref<1x!tpu.dma_semaphore, #tpu.memory_space<semaphore_mem>>
    %dma_start3A_33 = tpu.memref_squeeze %dma_start3A_32 : memref<1x!tpu.dma_semaphore, #tpu.memory_space<semaphore_mem>> -> memref<!tpu.dma_semaphore, #tpu.memory_space<semaphore_mem>>
    %dma_start3A_34 = arith.constant 0 : i32
    %dma_start3A_35 = arith.constant 0 : i32
    %dma_start3A_36 = tpu.memref_slice %arg5[%dma_start3A_23, %dma_start3A_34, %dma_start3A_35] : memref<10x8x1024xf32, #tpu.memory_space<vmem>> -> memref<1x8x1024xf32, #tpu.memory_space<vmem>>
    %dma_start3A_37 = tpu.memref_squeeze %dma_start3A_36 : memref<1x8x1024xf32, #tpu.memory_space<vmem>> -> memref<8x1024xf32, #tpu.memory_space<vmem>>
    %dma_start3A_38 = arith.constant 0 : i32
    %dma_start3A_39 = tpu.memref_slice %arg2[%dma_start3A_22, %add3A_21, %dma_start3A_38] : memref<4x2048x1024xf32, #tpu.memory_space<hbm>> -> memref<1x8x1024xf32, #tpu.memory_space<hbm>>
    %dma_start3A_40 = tpu.memref_squeeze %dma_start3A_39 : memref<1x8x1024xf32, #tpu.memory_space<hbm>> -> memref<8x1024xf32, #tpu.memory_space<hbm>>
    tpu.enqueue_dma source(%dma_start3A_40 : memref<8x1024xf32, #tpu.memory_space<hbm>>) target(%dma_start3A_37 : memref<8x1024xf32, #tpu.memory_space<vmem>>) target_semaphore(%dma_start3A_33 : memref<!tpu.dma_semaphore, #tpu.memory_space<semaphore_mem>>)
    %add3A_41 = arith.constant 0 : i32
    %add3A_42 = arith.addi %mul3A_2, %add3A_41 : i32
    %dma_start3A_43 = arith.constant 1 : i32
    %dma_start3A_44 = arith.constant 1 : i32
    %dma_start3A_45 = arith.constant 1 : i32
    %dma_start3A_46 = arith.constant 0 : i32
    %dma_start3A_47 = arith.constant 0 : i32
    %dma_start3A_48 = tpu.memref_slice %arg5[%dma_start3A_44, %dma_start3A_46, %dma_start3A_47] : memref<10x8x1024xf32, #tpu.memory_space<vmem>> -> memref<1x8x1024xf32, #tpu.memory_space<vmem>>
    %dma_start3A_49 = tpu.memref_squeeze %dma_start3A_48 : memref<1x8x1024xf32, #tpu.memory_space<vmem>> -> memref<8x1024xf32, #tpu.memory_space<vmem>>
    %dma_start3A_50 = arith.constant 0 : i32
    %dma_start3A_51 = tpu.memref_slice %arg2[%dma_start3A_43, %add3A_42, %dma_start3A_50] : memref<4x2048x1024xf32, #tpu.memory_space<hbm>> -> memref<1x8x1024xf32, #tpu.memory_space<hbm>>
    %dma_start3A_52 = tpu.memref_squeeze %dma_start3A_51 : memref<1x8x1024xf32, #tpu.memory_space<hbm>> -> memref<8x1024xf32, #tpu.memory_space<hbm>>
    %dma_start3A_53 = tpu.memref_slice %arg7[%dma_start3A_45] : memref<10x!tpu.dma_semaphore, #tpu.memory_space<semaphore_mem>> -> memref<1x!tpu.dma_semaphore, #tpu.memory_space<semaphore_mem>>
    %dma_start3A_54 = tpu.memref_squeeze %dma_start3A_53 : memref<1x!tpu.dma_semaphore, #tpu.memory_space<semaphore_mem>> -> memref<!tpu.dma_semaphore, #tpu.memory_space<semaphore_mem>>
    %dma_start3A_55 = arith.constant 0 : i32
    %dma_start3A_56 = arith.constant 0 : i32
    %dma_start3A_57 = tpu.memref_slice %arg5[%dma_start3A_44, %dma_start3A_55, %dma_start3A_56] : memref<10x8x1024xf32, #tpu.memory_space<vmem>> -> memref<1x8x1024xf32, #tpu.memory_space<vmem>>
    %dma_start3A_58 = tpu.memref_squeeze %dma_start3A_57 : memref<1x8x1024xf32, #tpu.memory_space<vmem>> -> memref<8x1024xf32, #tpu.memory_space<vmem>>
    %dma_start3A_59 = arith.constant 0 : i32
    %dma_start3A_60 = tpu.memref_slice %arg2[%dma_start3A_43, %add3A_42, %dma_start3A_59] : memref<4x2048x1024xf32, #tpu.memory_space<hbm>> -> memref<1x8x1024xf32, #tpu.memory_space<hbm>>
    %dma_start3A_61 = tpu.memref_squeeze %dma_start3A_60 : memref<1x8x1024xf32, #tpu.memory_space<hbm>> -> memref<8x1024xf32, #tpu.memory_space<hbm>>
    tpu.enqueue_dma source(%dma_start3A_61 : memref<8x1024xf32, #tpu.memory_space<hbm>>) target(%dma_start3A_58 : memref<8x1024xf32, #tpu.memory_space<vmem>>) target_semaphore(%dma_start3A_54 : memref<!tpu.dma_semaphore, #tpu.memory_space<semaphore_mem>>)
    %add3A_62 = arith.constant 0 : i32
    %add3A_63 = arith.addi %mul3A_2, %add3A_62 : i32
    %dma_start3A_64 = arith.constant 2 : i32
    %dma_start3A_65 = arith.constant 2 : i32
    %dma_start3A_66 = arith.constant 2 : i32
    %dma_start3A_67 = arith.constant 0 : i32
    %dma_start3A_68 = arith.constant 0 : i32
    %dma_start3A_69 = tpu.memref_slice %arg5[%dma_start3A_65, %dma_start3A_67, %dma_start3A_68] : memref<10x8x1024xf32, #tpu.memory_space<vmem>> -> memref<1x8x1024xf32, #tpu.memory_space<vmem>>
    %dma_start3A_70 = tpu.memref_squeeze %dma_start3A_69 : memref<1x8x1024xf32, #tpu.memory_space<vmem>> -> memref<8x1024xf32, #tpu.memory_space<vmem>>
    %dma_start3A_71 = arith.constant 0 : i32
    %dma_start3A_72 = tpu.memref_slice %arg2[%dma_start3A_64, %add3A_63, %dma_start3A_71] : memref<4x2048x1024xf32, #tpu.memory_space<hbm>> -> memref<1x8x1024xf32, #tpu.memory_space<hbm>>
    %dma_start3A_73 = tpu.memref_squeeze %dma_start3A_72 : memref<1x8x1024xf32, #tpu.memory_space<hbm>> -> memref<8x1024xf32, #tpu.memory_space<hbm>>
    %dma_start3A_74 = tpu.memref_slice %arg7[%dma_start3A_66] : memref<10x!tpu.dma_semaphore, #tpu.memory_space<semaphore_mem>> -> memref<1x!tpu.dma_semaphore, #tpu.memory_space<semaphore_mem>>
    %dma_start3A_75 = tpu.memref_squeeze %dma_start3A_74 : memref<1x!tpu.dma_semaphore, #tpu.memory_space<semaphore_mem>> -> memref<!tpu.dma_semaphore, #tpu.memory_space<semaphore_mem>>
    %dma_start3A_76 = arith.constant 0 : i32
    %dma_start3A_77 = arith.constant 0 : i32
    %dma_start3A_78 = tpu.memref_slice %arg5[%dma_start3A_65, %dma_start3A_76, %dma_start3A_77] : memref<10x8x1024xf32, #tpu.memory_space<vmem>> -> memref<1x8x1024xf32, #tpu.memory_space<vmem>>
    %dma_start3A_79 = tpu.memref_squeeze %dma_start3A_78 : memref<1x8x1024xf32, #tpu.memory_space<vmem>> -> memref<8x1024xf32, #tpu.memory_space<vmem>>
    %dma_start3A_80 = arith.constant 0 : i32
    %dma_start3A_81 = tpu.memref_slice %arg2[%dma_start3A_64, %add3A_63, %dma_start3A_80] : memref<4x2048x1024xf32, #tpu.memory_space<hbm>> -> memref<1x8x1024xf32, #tpu.memory_space<hbm>>
    %dma_start3A_82 = tpu.memref_squeeze %dma_start3A_81 : memref<1x8x1024xf32, #tpu.memory_space<hbm>> -> memref<8x1024xf32, #tpu.memory_space<hbm>>
    tpu.enqueue_dma source(%dma_start3A_82 : memref<8x1024xf32, #tpu.memory_space<hbm>>) target(%dma_start3A_79 : memref<8x1024xf32, #tpu.memory_space<vmem>>) target_semaphore(%dma_start3A_75 : memref<!tpu.dma_semaphore, #tpu.memory_space<semaphore_mem>>)
    %add3A_83 = arith.constant 0 : i32
    %add3A_84 = arith.addi %mul3A_2, %add3A_83 : i32
    %dma_start3A_85 = arith.constant 3 : i32
    %dma_start3A_86 = arith.constant 3 : i32
    %dma_start3A_87 = arith.constant 3 : i32
    %dma_start3A_88 = arith.constant 0 : i32
    %dma_start3A_89 = arith.constant 0 : i32
    %dma_start3A_90 = tpu.memref_slice %arg5[%dma_start3A_86, %dma_start3A_88, %dma_start3A_89] : memref<10x8x1024xf32, #tpu.memory_space<vmem>> -> memref<1x8x1024xf32, #tpu.memory_space<vmem>>
    %dma_start3A_91 = tpu.memref_squeeze %dma_start3A_90 : memref<1x8x1024xf32, #tpu.memory_space<vmem>> -> memref<8x1024xf32, #tpu.memory_space<vmem>>
    %dma_start3A_92 = arith.constant 0 : i32
    %dma_start3A_93 = tpu.memref_slice %arg2[%dma_start3A_85, %add3A_84, %dma_start3A_92] : memref<4x2048x1024xf32, #tpu.memory_space<hbm>> -> memref<1x8x1024xf32, #tpu.memory_space<hbm>>
    %dma_start3A_94 = tpu.memref_squeeze %dma_start3A_93 : memref<1x8x1024xf32, #tpu.memory_space<hbm>> -> memref<8x1024xf32, #tpu.memory_space<hbm>>
    %dma_start3A_95 = tpu.memref_slice %arg7[%dma_start3A_87] : memref<10x!tpu.dma_semaphore, #tpu.memory_space<semaphore_mem>> -> memref<1x!tpu.dma_semaphore, #tpu.memory_space<semaphore_mem>>
    %dma_start3A_96 = tpu.memref_squeeze %dma_start3A_95 : memref<1x!tpu.dma_semaphore, #tpu.memory_space<semaphore_mem>> -> memref<!tpu.dma_semaphore, #tpu.memory_space<semaphore_mem>>
    %dma_start3A_97 = arith.constant 0 : i32
    %dma_start3A_98 = arith.constant 0 : i32
    %dma_start3A_99 = tpu.memref_slice %arg5[%dma_start3A_86, %dma_start3A_97, %dma_start3A_98] : memref<10x8x1024xf32, #tpu.memory_space<vmem>> -> memref<1x8x1024xf32, #tpu.memory_space<vmem>>
    %dma_start3A_100 = tpu.memref_squeeze %dma_start3A_99 : memref<1x8x1024xf32, #tpu.memory_space<vmem>> -> memref<8x1024xf32, #tpu.memory_space<vmem>>
    %dma_start3A_101 = arith.constant 0 : i32
    %dma_start3A_102 = tpu.memref_slice %arg2[%dma_start3A_85, %add3A_84, %dma_start3A_101] : memref<4x2048x1024xf32, #tpu.memory_space<hbm>> -> memref<1x8x1024xf32, #tpu.memory_space<hbm>>
    %dma_start3A_103 = tpu.memref_squeeze %dma_start3A_102 : memref<1x8x1024xf32, #tpu.memory_space<hbm>> -> memref<8x1024xf32, #tpu.memory_space<hbm>>
    tpu.enqueue_dma source(%dma_start3A_103 : memref<8x1024xf32, #tpu.memory_space<hbm>>) target(%dma_start3A_100 : memref<8x1024xf32, #tpu.memory_space<vmem>>) target_semaphore(%dma_start3A_96 : memref<!tpu.dma_semaphore, #tpu.memory_space<semaphore_mem>>)
    %add3A_104 = arith.constant 8 : i32
    %add3A_105 = arith.addi %mul3A_2, %add3A_104 : i32
    %dma_start3A_106 = arith.constant 0 : i32
    %dma_start3A_107 = arith.constant 4 : i32
    %dma_start3A_108 = arith.constant 4 : i32
    %dma_start3A_109 = arith.constant 0 : i32
    %dma_start3A_110 = arith.constant 0 : i32
    %dma_start3A_111 = tpu.memref_slice %arg5[%dma_start3A_107, %dma_start3A_109, %dma_start3A_110] : memref<10x8x1024xf32, #tpu.memory_space<vmem>> -> memref<1x8x1024xf32, #tpu.memory_space<vmem>>
    %dma_start3A_112 = tpu.memref_squeeze %dma_start3A_111 : memref<1x8x1024xf32, #tpu.memory_space<vmem>> -> memref<8x1024xf32, #tpu.memory_space<vmem>>
    %dma_start3A_113 = arith.constant 0 : i32
    %dma_start3A_114 = tpu.memref_slice %arg2[%dma_start3A_106, %add3A_105, %dma_start3A_113] : memref<4x2048x1024xf32, #tpu.memory_space<hbm>> -> memref<1x8x1024xf32, #tpu.memory_space<hbm>>
    %dma_start3A_115 = tpu.memref_squeeze %dma_start3A_114 : memref<1x8x1024xf32, #tpu.memory_space<hbm>> -> memref<8x1024xf32, #tpu.memory_space<hbm>>
    %dma_start3A_116 = tpu.memref_slice %arg7[%dma_start3A_108] : memref<10x!tpu.dma_semaphore, #tpu.memory_space<semaphore_mem>> -> memref<1x!tpu.dma_semaphore, #tpu.memory_space<semaphore_mem>>
    %dma_start3A_117 = tpu.memref_squeeze %dma_start3A_116 : memref<1x!tpu.dma_semaphore, #tpu.memory_space<semaphore_mem>> -> memref<!tpu.dma_semaphore, #tpu.memory_space<semaphore_mem>>
    %dma_start3A_118 = arith.constant 0 : i32
    %dma_start3A_119 = arith.constant 0 : i32
    %dma_start3A_120 = tpu.memref_slice %arg5[%dma_start3A_107, %dma_start3A_118, %dma_start3A_119] : memref<10x8x1024xf32, #tpu.memory_space<vmem>> -> memref<1x8x1024xf32, #tpu.memory_space<vmem>>
    %dma_start3A_121 = tpu.memref_squeeze %dma_start3A_120 : memref<1x8x1024xf32, #tpu.memory_space<vmem>> -> memref<8x1024xf32, #tpu.memory_space<vmem>>
    %dma_start3A_122 = arith.constant 0 : i32
    %dma_start3A_123 = tpu.memref_slice %arg2[%dma_start3A_106, %add3A_105, %dma_start3A_122] : memref<4x2048x1024xf32, #tpu.memory_space<hbm>> -> memref<1x8x1024xf32, #tpu.memory_space<hbm>>
    %dma_start3A_124 = tpu.memref_squeeze %dma_start3A_123 : memref<1x8x1024xf32, #tpu.memory_space<hbm>> -> memref<8x1024xf32, #tpu.memory_space<hbm>>
    tpu.enqueue_dma source(%dma_start3A_124 : memref<8x1024xf32, #tpu.memory_space<hbm>>) target(%dma_start3A_121 : memref<8x1024xf32, #tpu.memory_space<vmem>>) target_semaphore(%dma_start3A_117 : memref<!tpu.dma_semaphore, #tpu.memory_space<semaphore_mem>>)
    %add3A_125 = arith.constant 8 : i32
    %add3A_126 = arith.addi %mul3A_2, %add3A_125 : i32
    %dma_start3A_127 = arith.constant 1 : i32
    %dma_start3A_128 = arith.constant 5 : i32
    %dma_start3A_129 = arith.constant 5 : i32
    %dma_start3A_130 = arith.constant 0 : i32
    %dma_start3A_131 = arith.constant 0 : i32
    %dma_start3A_132 = tpu.memref_slice %arg5[%dma_start3A_128, %dma_start3A_130, %dma_start3A_131] : memref<10x8x1024xf32, #tpu.memory_space<vmem>> -> memref<1x8x1024xf32, #tpu.memory_space<vmem>>
    %dma_start3A_133 = tpu.memref_squeeze %dma_start3A_132 : memref<1x8x1024xf32, #tpu.memory_space<vmem>> -> memref<8x1024xf32, #tpu.memory_space<vmem>>
    %dma_start3A_134 = arith.constant 0 : i32
    %dma_start3A_135 = tpu.memref_slice %arg2[%dma_start3A_127, %add3A_126, %dma_start3A_134] : memref<4x2048x1024xf32, #tpu.memory_space<hbm>> -> memref<1x8x1024xf32, #tpu.memory_space<hbm>>
    %dma_start3A_136 = tpu.memref_squeeze %dma_start3A_135 : memref<1x8x1024xf32, #tpu.memory_space<hbm>> -> memref<8x1024xf32, #tpu.memory_space<hbm>>
    %dma_start3A_137 = tpu.memref_slice %arg7[%dma_start3A_129] : memref<10x!tpu.dma_semaphore, #tpu.memory_space<semaphore_mem>> -> memref<1x!tpu.dma_semaphore, #tpu.memory_space<semaphore_mem>>
    %dma_start3A_138 = tpu.memref_squeeze %dma_start3A_137 : memref<1x!tpu.dma_semaphore, #tpu.memory_space<semaphore_mem>> -> memref<!tpu.dma_semaphore, #tpu.memory_space<semaphore_mem>>
    %dma_start3A_139 = arith.constant 0 : i32
    %dma_start3A_140 = arith.constant 0 : i32
    %dma_start3A_141 = tpu.memref_slice %arg5[%dma_start3A_128, %dma_start3A_139, %dma_start3A_140] : memref<10x8x1024xf32, #tpu.memory_space<vmem>> -> memref<1x8x1024xf32, #tpu.memory_space<vmem>>
    %dma_start3A_142 = tpu.memref_squeeze %dma_start3A_141 : memref<1x8x1024xf32, #tpu.memory_space<vmem>> -> memref<8x1024xf32, #tpu.memory_space<vmem>>
    %dma_start3A_143 = arith.constant 0 : i32
    %dma_start3A_144 = tpu.memref_slice %arg2[%dma_start3A_127, %add3A_126, %dma_start3A_143] : memref<4x2048x1024xf32, #tpu.memory_space<hbm>> -> memref<1x8x1024xf32, #tpu.memory_space<hbm>>
    %dma_start3A_145 = tpu.memref_squeeze %dma_start3A_144 : memref<1x8x1024xf32, #tpu.memory_space<hbm>> -> memref<8x1024xf32, #tpu.memory_space<hbm>>
    tpu.enqueue_dma source(%dma_start3A_145 : memref<8x1024xf32, #tpu.memory_space<hbm>>) target(%dma_start3A_142 : memref<8x1024xf32, #tpu.memory_space<vmem>>) target_semaphore(%dma_start3A_138 : memref<!tpu.dma_semaphore, #tpu.memory_space<semaphore_mem>>)
    %add3A_146 = arith.constant 8 : i32
    %add3A_147 = arith.addi %mul3A_2, %add3A_146 : i32
    %dma_start3A_148 = arith.constant 2 : i32
    %dma_start3A_149 = arith.constant 6 : i32
    %dma_start3A_150 = arith.constant 6 : i32
    %dma_start3A_151 = arith.constant 0 : i32
    %dma_start3A_152 = arith.constant 0 : i32
    %dma_start3A_153 = tpu.memref_slice %arg5[%dma_start3A_149, %dma_start3A_151, %dma_start3A_152] : memref<10x8x1024xf32, #tpu.memory_space<vmem>> -> memref<1x8x1024xf32, #tpu.memory_space<vmem>>
    %dma_start3A_154 = tpu.memref_squeeze %dma_start3A_153 : memref<1x8x1024xf32, #tpu.memory_space<vmem>> -> memref<8x1024xf32, #tpu.memory_space<vmem>>
    %dma_start3A_155 = arith.constant 0 : i32
    %dma_start3A_156 = tpu.memref_slice %arg2[%dma_start3A_148, %add3A_147, %dma_start3A_155] : memref<4x2048x1024xf32, #tpu.memory_space<hbm>> -> memref<1x8x1024xf32, #tpu.memory_space<hbm>>
    %dma_start3A_157 = tpu.memref_squeeze %dma_start3A_156 : memref<1x8x1024xf32, #tpu.memory_space<hbm>> -> memref<8x1024xf32, #tpu.memory_space<hbm>>
    %dma_start3A_158 = tpu.memref_slice %arg7[%dma_start3A_150] : memref<10x!tpu.dma_semaphore, #tpu.memory_space<semaphore_mem>> -> memref<1x!tpu.dma_semaphore, #tpu.memory_space<semaphore_mem>>
    %dma_start3A_159 = tpu.memref_squeeze %dma_start3A_158 : memref<1x!tpu.dma_semaphore, #tpu.memory_space<semaphore_mem>> -> memref<!tpu.dma_semaphore, #tpu.memory_space<semaphore_mem>>
    %dma_start3A_160 = arith.constant 0 : i32
    %dma_start3A_161 = arith.constant 0 : i32
    %dma_start3A_162 = tpu.memref_slice %arg5[%dma_start3A_149, %dma_start3A_160, %dma_start3A_161] : memref<10x8x1024xf32, #tpu.memory_space<vmem>> -> memref<1x8x1024xf32, #tpu.memory_space<vmem>>
    %dma_start3A_163 = tpu.memref_squeeze %dma_start3A_162 : memref<1x8x1024xf32, #tpu.memory_space<vmem>> -> memref<8x1024xf32, #tpu.memory_space<vmem>>
    %dma_start3A_164 = arith.constant 0 : i32
    %dma_start3A_165 = tpu.memref_slice %arg2[%dma_start3A_148, %add3A_147, %dma_start3A_164] : memref<4x2048x1024xf32, #tpu.memory_space<hbm>> -> memref<1x8x1024xf32, #tpu.memory_space<hbm>>
    %dma_start3A_166 = tpu.memref_squeeze %dma_start3A_165 : memref<1x8x1024xf32, #tpu.memory_space<hbm>> -> memref<8x1024xf32, #tpu.memory_space<hbm>>
    tpu.enqueue_dma source(%dma_start3A_166 : memref<8x1024xf32, #tpu.memory_space<hbm>>) target(%dma_start3A_163 : memref<8x1024xf32, #tpu.memory_space<vmem>>) target_semaphore(%dma_start3A_159 : memref<!tpu.dma_semaphore, #tpu.memory_space<semaphore_mem>>)
    %add3A_167 = arith.constant 8 : i32
    %add3A_168 = arith.addi %mul3A_2, %add3A_167 : i32
    %dma_start3A_169 = arith.constant 3 : i32
    %dma_start3A_170 = arith.constant 7 : i32
    %dma_start3A_171 = arith.constant 7 : i32
    %dma_start3A_172 = arith.constant 0 : i32
    %dma_start3A_173 = arith.constant 0 : i32
    %dma_start3A_174 = tpu.memref_slice %arg5[%dma_start3A_170, %dma_start3A_172, %dma_start3A_173] : memref<10x8x1024xf32, #tpu.memory_space<vmem>> -> memref<1x8x1024xf32, #tpu.memory_space<vmem>>
    %dma_start3A_175 = tpu.memref_squeeze %dma_start3A_174 : memref<1x8x1024xf32, #tpu.memory_space<vmem>> -> memref<8x1024xf32, #tpu.memory_space<vmem>>
    %dma_start3A_176 = arith.constant 0 : i32
    %dma_start3A_177 = tpu.memref_slice %arg2[%dma_start3A_169, %add3A_168, %dma_start3A_176] : memref<4x2048x1024xf32, #tpu.memory_space<hbm>> -> memref<1x8x1024xf32, #tpu.memory_space<hbm>>
    %dma_start3A_178 = tpu.memref_squeeze %dma_start3A_177 : memref<1x8x1024xf32, #tpu.memory_space<hbm>> -> memref<8x1024xf32, #tpu.memory_space<hbm>>
    %dma_start3A_179 = tpu.memref_slice %arg7[%dma_start3A_171] : memref<10x!tpu.dma_semaphore, #tpu.memory_space<semaphore_mem>> -> memref<1x!tpu.dma_semaphore, #tpu.memory_space<semaphore_mem>>
    %dma_start3A_180 = tpu.memref_squeeze %dma_start3A_179 : memref<1x!tpu.dma_semaphore, #tpu.memory_space<semaphore_mem>> -> memref<!tpu.dma_semaphore, #tpu.memory_space<semaphore_mem>>
    %dma_start3A_181 = arith.constant 0 : i32
    %dma_start3A_182 = arith.constant 0 : i32
    %dma_start3A_183 = tpu.memref_slice %arg5[%dma_start3A_170, %dma_start3A_181, %dma_start3A_182] : memref<10x8x1024xf32, #tpu.memory_space<vmem>> -> memref<1x8x1024xf32, #tpu.memory_space<vmem>>
    %dma_start3A_184 = tpu.memref_squeeze %dma_start3A_183 : memref<1x8x1024xf32, #tpu.memory_space<vmem>> -> memref<8x1024xf32, #tpu.memory_space<vmem>>
    %dma_start3A_185 = arith.constant 0 : i32
    %dma_start3A_186 = tpu.memref_slice %arg2[%dma_start3A_169, %add3A_168, %dma_start3A_185] : memref<4x2048x1024xf32, #tpu.memory_space<hbm>> -> memref<1x8x1024xf32, #tpu.memory_space<hbm>>
    %dma_start3A_187 = tpu.memref_squeeze %dma_start3A_186 : memref<1x8x1024xf32, #tpu.memory_space<hbm>> -> memref<8x1024xf32, #tpu.memory_space<hbm>>
    tpu.enqueue_dma source(%dma_start3A_187 : memref<8x1024xf32, #tpu.memory_space<hbm>>) target(%dma_start3A_184 : memref<8x1024xf32, #tpu.memory_space<vmem>>) target_semaphore(%dma_start3A_180 : memref<!tpu.dma_semaphore, #tpu.memory_space<semaphore_mem>>)
    %add3A_188 = arith.constant 16 : i32
    %add3A_189 = arith.addi %mul3A_2, %add3A_188 : i32
    %dma_start3A_190 = arith.constant 0 : i32
    %dma_start3A_191 = arith.constant 8 : i32
    %dma_start3A_192 = arith.constant 8 : i32
    %dma_start3A_193 = arith.constant 0 : i32
    %dma_start3A_194 = arith.constant 0 : i32
    %dma_start3A_195 = tpu.memref_slice %arg5[%dma_start3A_191, %dma_start3A_193, %dma_start3A_194] : memref<10x8x1024xf32, #tpu.memory_space<vmem>> -> memref<1x8x1024xf32, #tpu.memory_space<vmem>>
    %dma_start3A_196 = tpu.memref_squeeze %dma_start3A_195 : memref<1x8x1024xf32, #tpu.memory_space<vmem>> -> memref<8x1024xf32, #tpu.memory_space<vmem>>
    %dma_start3A_197 = arith.constant 0 : i32
    %dma_start3A_198 = tpu.memref_slice %arg2[%dma_start3A_190, %add3A_189, %dma_start3A_197] : memref<4x2048x1024xf32, #tpu.memory_space<hbm>> -> memref<1x8x1024xf32, #tpu.memory_space<hbm>>
    %dma_start3A_199 = tpu.memref_squeeze %dma_start3A_198 : memref<1x8x1024xf32, #tpu.memory_space<hbm>> -> memref<8x1024xf32, #tpu.memory_space<hbm>>
    %dma_start3A_200 = tpu.memref_slice %arg7[%dma_start3A_192] : memref<10x!tpu.dma_semaphore, #tpu.memory_space<semaphore_mem>> -> memref<1x!tpu.dma_semaphore, #tpu.memory_space<semaphore_mem>>
    %dma_start3A_201 = tpu.memref_squeeze %dma_start3A_200 : memref<1x!tpu.dma_semaphore, #tpu.memory_space<semaphore_mem>> -> memref<!tpu.dma_semaphore, #tpu.memory_space<semaphore_mem>>
    %dma_start3A_202 = arith.constant 0 : i32
    %dma_start3A_203 = arith.constant 0 : i32
    %dma_start3A_204 = tpu.memref_slice %arg5[%dma_start3A_191, %dma_start3A_202, %dma_start3A_203] : memref<10x8x1024xf32, #tpu.memory_space<vmem>> -> memref<1x8x1024xf32, #tpu.memory_space<vmem>>
    %dma_start3A_205 = tpu.memref_squeeze %dma_start3A_204 : memref<1x8x1024xf32, #tpu.memory_space<vmem>> -> memref<8x1024xf32, #tpu.memory_space<vmem>>
    %dma_start3A_206 = arith.constant 0 : i32
    %dma_start3A_207 = tpu.memref_slice %arg2[%dma_start3A_190, %add3A_189, %dma_start3A_206] : memref<4x2048x1024xf32, #tpu.memory_space<hbm>> -> memref<1x8x1024xf32, #tpu.memory_space<hbm>>
    %dma_start3A_208 = tpu.memref_squeeze %dma_start3A_207 : memref<1x8x1024xf32, #tpu.memory_space<hbm>> -> memref<8x1024xf32, #tpu.memory_space<hbm>>
    tpu.enqueue_dma source(%dma_start3A_208 : memref<8x1024xf32, #tpu.memory_space<hbm>>) target(%dma_start3A_205 : memref<8x1024xf32, #tpu.memory_space<vmem>>) target_semaphore(%dma_start3A_201 : memref<!tpu.dma_semaphore, #tpu.memory_space<semaphore_mem>>)
    %scan3A = arith.constant 0 : i32
    %scan3A_209 = arith.constant 0 : i32
    %scan3A_210 = arith.constant 32 : i32
    %scan3A_211 = arith.addi %scan3A_209, %scan3A_210 : i32
    %scan3A_212 = arith.constant 1 : i32
    scf.for %scan3A_220 = %scan3A_209 to %scan3A_211 step %scan3A_212  : i32 {
      %jit3A = arith.constant 4 : i32
      %div3A = arith.divsi %scan3A_220, %jit3A : i32
      %sign3A = arith.constant 0 : i32
      %sign3A_221 = arith.cmpi sgt, %scan3A_220, %sign3A : i32
      %sign3A_222 = arith.extui %sign3A_221 : i1 to i32
      %sign3A_223 = arith.constant 0 : i32
      %sign3A_224 = arith.cmpi slt, %scan3A_220, %sign3A_223 : i32
      %sign3A_225 = arith.extui %sign3A_224 : i1 to i32
      %sign3A_226 = arith.subi %sign3A_222, %sign3A_225 : i32
      %sign3A_227 = arith.constant 0 : i32
      %sign3A_228 = arith.cmpi sgt, %jit3A, %sign3A_227 : i32
      %sign3A_229 = arith.extui %sign3A_228 : i1 to i32
      %sign3A_230 = arith.constant 0 : i32
      %sign3A_231 = arith.cmpi slt, %jit3A, %sign3A_230 : i32
      %sign3A_232 = arith.extui %sign3A_231 : i1 to i32
      %sign3A_233 = arith.subi %sign3A_229, %sign3A_232 : i32
      %ne3A = arith.cmpi ne, %sign3A_226, %sign3A_233 : i32
      %rem3A = arith.remsi %scan3A_220, %jit3A : i32
      %ne3A_234 = arith.constant 0 : i32
      %ne3A_235 = arith.cmpi ne, %rem3A, %ne3A_234 : i32
      %and3A = arith.andi %ne3A, %ne3A_235 : i1
      %sub3A = arith.constant 1 : i32
      %sub3A_236 = arith.subi %div3A, %sub3A : i32
      %select_n3A = arith.select %and3A, %sub3A_236, %div3A : i32
      %jit3A_237 = arith.constant 4 : i32
      %eq3A = arith.constant 0 : i32
      %eq3A_238 = arith.cmpi eq, %jit3A_237, %eq3A : i32
      %jit3A_239 = arith.constant 1 : i32
      %select_n3A_240 = arith.select %eq3A_238, %jit3A_239, %jit3A_237 : i32
      %rem3A_241 = arith.remsi %scan3A_220, %select_n3A_240 : i32
      %ne3A_242 = arith.constant 0 : i32
      %ne3A_243 = arith.cmpi ne, %rem3A_241, %ne3A_242 : i32
      %lt3A = arith.constant 0 : i32
      %lt3A_244 = arith.cmpi slt, %rem3A_241, %lt3A : i32
      %lt3A_245 = arith.constant 0 : i32
      %lt3A_246 = arith.cmpi slt, %select_n3A_240, %lt3A_245 : i32
      %ne3A_247 = arith.xori %lt3A_244, %lt3A_246 : i1
      %and3A_248 = arith.andi %ne3A_247, %ne3A_243 : i1
      %add3A_249 = arith.addi %rem3A_241, %select_n3A_240 : i32
      %select_n3A_250 = arith.select %and3A_248, %add3A_249, %rem3A_241 : i32
      %eq3A_251 = arith.constant 0 : i32
      %eq3A_252 = arith.cmpi eq, %select_n3A_250, %eq3A_251 : i32
      %convert_element_type3A = arith.extui %eq3A_252 : i1 to i32
      %cond3A = arith.constant 0 : i32
      %cond3A_253 = arith.cmpi ne, %convert_element_type3A, %cond3A : i32
      scf.if %cond3A_253 {
        %mul3A_446 = arith.constant 8 : i32
        %mul3A_447 = arith.muli %select_n3A, %mul3A_446 : i32
        %add3A_448 = arith.addi %mul3A_2, %mul3A_447 : i32
        %jit3A_449 = arith.constant 3 : i32
        %eq3A_450 = arith.constant 0 : i32
        %eq3A_451 = arith.cmpi eq, %jit3A_449, %eq3A_450 : i32
        %jit3A_452 = arith.constant 1 : i32
        %select_n3A_453 = arith.select %eq3A_451, %jit3A_452, %jit3A_449 : i32
        %rem3A_454 = arith.remsi %select_n3A, %select_n3A_453 : i32
        %ne3A_455 = arith.constant 0 : i32
        %ne3A_456 = arith.cmpi ne, %rem3A_454, %ne3A_455 : i32
        %lt3A_457 = arith.constant 0 : i32
        %lt3A_458 = arith.cmpi slt, %rem3A_454, %lt3A_457 : i32
        %lt3A_459 = arith.constant 0 : i32
        %lt3A_460 = arith.cmpi slt, %select_n3A_453, %lt3A_459 : i32
        %ne3A_461 = arith.xori %lt3A_458, %lt3A_460 : i1
        %and3A_462 = arith.andi %ne3A_461, %ne3A_456 : i1
        %add3A_463 = arith.addi %rem3A_454, %select_n3A_453 : i32
        %select_n3A_464 = arith.select %and3A_462, %add3A_463, %rem3A_454 : i32
        %jit3A_465 = arith.constant 3 : i32
        %eq3A_466 = arith.constant 0 : i32
        %eq3A_467 = arith.cmpi eq, %jit3A_465, %eq3A_466 : i32
        %jit3A_468 = arith.constant 1 : i32
        %select_n3A_469 = arith.select %eq3A_467, %jit3A_468, %jit3A_465 : i32
        %rem3A_470 = arith.remsi %select_n3A, %select_n3A_469 : i32
        %ne3A_471 = arith.constant 0 : i32
        %ne3A_472 = arith.cmpi ne, %rem3A_470, %ne3A_471 : i32
        %lt3A_473 = arith.constant 0 : i32
        %lt3A_474 = arith.cmpi slt, %rem3A_470, %lt3A_473 : i32
        %lt3A_475 = arith.constant 0 : i32
        %lt3A_476 = arith.cmpi slt, %select_n3A_469, %lt3A_475 : i32
        %ne3A_477 = arith.xori %lt3A_474, %lt3A_476 : i1
        %and3A_478 = arith.andi %ne3A_477, %ne3A_472 : i1
        %add3A_479 = arith.addi %rem3A_470, %select_n3A_469 : i32
        %select_n3A_480 = arith.select %and3A_478, %add3A_479, %rem3A_470 : i32
        %dma_wait3A_481 = arith.constant 0 : i32
        %dma_wait3A_482 = arith.constant 0 : i32
        %dma_wait3A_483 = tpu.memref_slice %arg6[%select_n3A_464, %dma_wait3A_481, %dma_wait3A_482] : memref<3x8x1024xf32, #tpu.memory_space<vmem>> -> memref<1x8x1024xf32, #tpu.memory_space<vmem>>
        %dma_wait3A_484 = tpu.memref_squeeze %dma_wait3A_483 : memref<1x8x1024xf32, #tpu.memory_space<vmem>> -> memref<8x1024xf32, #tpu.memory_space<vmem>>
        %dma_wait3A_485 = arith.constant 0 : i32
        %dma_wait3A_486 = tpu.memref_slice %arg3[%add3A_448, %dma_wait3A_485] : memref<2048x1024xf32, #tpu.memory_space<hbm>> -> memref<8x1024xf32, #tpu.memory_space<hbm>>
        %dma_wait3A_487 = tpu.memref_slice %arg9[%select_n3A_480] : memref<3x!tpu.dma_semaphore, #tpu.memory_space<semaphore_mem>> -> memref<1x!tpu.dma_semaphore, #tpu.memory_space<semaphore_mem>>
        %dma_wait3A_488 = tpu.memref_squeeze %dma_wait3A_487 : memref<1x!tpu.dma_semaphore, #tpu.memory_space<semaphore_mem>> -> memref<!tpu.dma_semaphore, #tpu.memory_space<semaphore_mem>>
        %dma_wait3A_489 = arith.constant 0 : i32
        %dma_wait3A_490 = arith.constant 0 : i32
        %dma_wait3A_491 = tpu.memref_slice %arg6[%select_n3A_464, %dma_wait3A_489, %dma_wait3A_490] : memref<3x8x1024xf32, #tpu.memory_space<vmem>> -> memref<1x8x1024xf32, #tpu.memory_space<vmem>>
        %dma_wait3A_492 = tpu.memref_squeeze %dma_wait3A_491 : memref<1x8x1024xf32, #tpu.memory_space<vmem>> -> memref<8x1024xf32, #tpu.memory_space<vmem>>
        %dma_wait3A_493 = arith.constant 0 : i32
        %dma_wait3A_494 = tpu.memref_slice %arg3[%add3A_448, %dma_wait3A_493] : memref<2048x1024xf32, #tpu.memory_space<hbm>> -> memref<8x1024xf32, #tpu.memory_space<hbm>>
        tpu.wait_dma2 semaphore(%dma_wait3A_488 : memref<!tpu.dma_semaphore, #tpu.memory_space<semaphore_mem>>) src(%dma_wait3A_494 : memref<8x1024xf32, #tpu.memory_space<hbm>>) dst(%dma_wait3A_492 : memref<8x1024xf32, #tpu.memory_space<vmem>>)
        %add3A_495 = arith.constant 1 : i32
        %add3A_496 = arith.addi %select_n3A, %add3A_495 : i32
        %lt3A_497 = arith.constant 8 : i32
        %lt3A_498 = arith.cmpi slt, %add3A_496, %lt3A_497 : i32
        %convert_element_type3A_499 = arith.extui %lt3A_498 : i1 to i32
        %cond3A_500 = arith.constant 0 : i32
        %cond3A_501 = arith.cmpi ne, %convert_element_type3A_499, %cond3A_500 : i32
        scf.if %cond3A_501 {
          %add3A_502 = arith.constant 1 : i32
          %add3A_503 = arith.addi %select_n3A, %add3A_502 : i32
          %mul3A_504 = arith.constant 8 : i32
          %mul3A_505 = arith.muli %add3A_503, %mul3A_504 : i32
          %add3A_506 = arith.addi %mul3A_2, %mul3A_505 : i32
          %jit3A_507 = arith.constant 3 : i32
          %eq3A_508 = arith.constant 0 : i32
          %eq3A_509 = arith.cmpi eq, %jit3A_507, %eq3A_508 : i32
          %jit3A_510 = arith.constant 1 : i32
          %select_n3A_511 = arith.select %eq3A_509, %jit3A_510, %jit3A_507 : i32
          %rem3A_512 = arith.remsi %add3A_503, %select_n3A_511 : i32
          %ne3A_513 = arith.constant 0 : i32
          %ne3A_514 = arith.cmpi ne, %rem3A_512, %ne3A_513 : i32
          %lt3A_515 = arith.constant 0 : i32
          %lt3A_516 = arith.cmpi slt, %rem3A_512, %lt3A_515 : i32
          %lt3A_517 = arith.constant 0 : i32
          %lt3A_518 = arith.cmpi slt, %select_n3A_511, %lt3A_517 : i32
          %ne3A_519 = arith.xori %lt3A_516, %lt3A_518 : i1
          %and3A_520 = arith.andi %ne3A_519, %ne3A_514 : i1
          %add3A_521 = arith.addi %rem3A_512, %select_n3A_511 : i32
          %select_n3A_522 = arith.select %and3A_520, %add3A_521, %rem3A_512 : i32
          %jit3A_523 = arith.constant 3 : i32
          %eq3A_524 = arith.constant 0 : i32
          %eq3A_525 = arith.cmpi eq, %jit3A_523, %eq3A_524 : i32
          %jit3A_526 = arith.constant 1 : i32
          %select_n3A_527 = arith.select %eq3A_525, %jit3A_526, %jit3A_523 : i32
          %rem3A_528 = arith.remsi %add3A_503, %select_n3A_527 : i32
          %ne3A_529 = arith.constant 0 : i32
          %ne3A_530 = arith.cmpi ne, %rem3A_528, %ne3A_529 : i32
          %lt3A_531 = arith.constant 0 : i32
          %lt3A_532 = arith.cmpi slt, %rem3A_528, %lt3A_531 : i32
          %lt3A_533 = arith.constant 0 : i32
          %lt3A_534 = arith.cmpi slt, %select_n3A_527, %lt3A_533 : i32
          %ne3A_535 = arith.xori %lt3A_532, %lt3A_534 : i1
          %and3A_536 = arith.andi %ne3A_535, %ne3A_530 : i1
          %add3A_537 = arith.addi %rem3A_528, %select_n3A_527 : i32
          %select_n3A_538 = arith.select %and3A_536, %add3A_537, %rem3A_528 : i32
          %dma_start3A_539 = arith.constant 0 : i32
          %dma_start3A_540 = arith.constant 0 : i32
          %dma_start3A_541 = tpu.memref_slice %arg6[%select_n3A_522, %dma_start3A_539, %dma_start3A_540] : memref<3x8x1024xf32, #tpu.memory_space<vmem>> -> memref<1x8x1024xf32, #tpu.memory_space<vmem>>
          %dma_start3A_542 = tpu.memref_squeeze %dma_start3A_541 : memref<1x8x1024xf32, #tpu.memory_space<vmem>> -> memref<8x1024xf32, #tpu.memory_space<vmem>>
          %dma_start3A_543 = arith.constant 0 : i32
          %dma_start3A_544 = tpu.memref_slice %arg3[%add3A_506, %dma_start3A_543] : memref<2048x1024xf32, #tpu.memory_space<hbm>> -> memref<8x1024xf32, #tpu.memory_space<hbm>>
          %dma_start3A_545 = tpu.memref_slice %arg9[%select_n3A_538] : memref<3x!tpu.dma_semaphore, #tpu.memory_space<semaphore_mem>> -> memref<1x!tpu.dma_semaphore, #tpu.memory_space<semaphore_mem>>
          %dma_start3A_546 = tpu.memref_squeeze %dma_start3A_545 : memref<1x!tpu.dma_semaphore, #tpu.memory_space<semaphore_mem>> -> memref<!tpu.dma_semaphore, #tpu.memory_space<semaphore_mem>>
          %dma_start3A_547 = arith.constant 0 : i32
          %dma_start3A_548 = arith.constant 0 : i32
          %dma_start3A_549 = tpu.memref_slice %arg6[%select_n3A_522, %dma_start3A_547, %dma_start3A_548] : memref<3x8x1024xf32, #tpu.memory_space<vmem>> -> memref<1x8x1024xf32, #tpu.memory_space<vmem>>
          %dma_start3A_550 = tpu.memref_squeeze %dma_start3A_549 : memref<1x8x1024xf32, #tpu.memory_space<vmem>> -> memref<8x1024xf32, #tpu.memory_space<vmem>>
          %dma_start3A_551 = arith.constant 0 : i32
          %dma_start3A_552 = tpu.memref_slice %arg3[%add3A_506, %dma_start3A_551] : memref<2048x1024xf32, #tpu.memory_space<hbm>> -> memref<8x1024xf32, #tpu.memory_space<hbm>>
          tpu.enqueue_dma source(%dma_start3A_552 : memref<8x1024xf32, #tpu.memory_space<hbm>>) target(%dma_start3A_550 : memref<8x1024xf32, #tpu.memory_space<vmem>>) target_semaphore(%dma_start3A_546 : memref<!tpu.dma_semaphore, #tpu.memory_space<semaphore_mem>>)
        } else {
        }
      } else {
      }
      %jit3A_254 = arith.constant 4 : i32
      %div3A_255 = arith.divsi %scan3A_220, %jit3A_254 : i32
      %sign3A_256 = arith.constant 0 : i32
      %sign3A_257 = arith.cmpi sgt, %scan3A_220, %sign3A_256 : i32
      %sign3A_258 = arith.extui %sign3A_257 : i1 to i32
      %sign3A_259 = arith.constant 0 : i32
      %sign3A_260 = arith.cmpi slt, %scan3A_220, %sign3A_259 : i32
      %sign3A_261 = arith.extui %sign3A_260 : i1 to i32
      %sign3A_262 = arith.subi %sign3A_258, %sign3A_261 : i32
      %sign3A_263 = arith.constant 0 : i32
      %sign3A_264 = arith.cmpi sgt, %jit3A_254, %sign3A_263 : i32
      %sign3A_265 = arith.extui %sign3A_264 : i1 to i32
      %sign3A_266 = arith.constant 0 : i32
      %sign3A_267 = arith.cmpi slt, %jit3A_254, %sign3A_266 : i32
      %sign3A_268 = arith.extui %sign3A_267 : i1 to i32
      %sign3A_269 = arith.subi %sign3A_265, %sign3A_268 : i32
      %ne3A_270 = arith.cmpi ne, %sign3A_262, %sign3A_269 : i32
      %rem3A_271 = arith.remsi %scan3A_220, %jit3A_254 : i32
      %ne3A_272 = arith.constant 0 : i32
      %ne3A_273 = arith.cmpi ne, %rem3A_271, %ne3A_272 : i32
      %and3A_274 = arith.andi %ne3A_270, %ne3A_273 : i1
      %sub3A_275 = arith.constant 1 : i32
      %sub3A_276 = arith.subi %div3A_255, %sub3A_275 : i32
      %select_n3A_277 = arith.select %and3A_274, %sub3A_276, %div3A_255 : i32
      %jit3A_278 = arith.constant 4 : i32
      %eq3A_279 = arith.constant 0 : i32
      %eq3A_280 = arith.cmpi eq, %jit3A_278, %eq3A_279 : i32
      %jit3A_281 = arith.constant 1 : i32
      %select_n3A_282 = arith.select %eq3A_280, %jit3A_281, %jit3A_278 : i32
      %rem3A_283 = arith.remsi %scan3A_220, %select_n3A_282 : i32
      %ne3A_284 = arith.constant 0 : i32
      %ne3A_285 = arith.cmpi ne, %rem3A_283, %ne3A_284 : i32
      %lt3A_286 = arith.constant 0 : i32
      %lt3A_287 = arith.cmpi slt, %rem3A_283, %lt3A_286 : i32
      %lt3A_288 = arith.constant 0 : i32
      %lt3A_289 = arith.cmpi slt, %select_n3A_282, %lt3A_288 : i32
      %ne3A_290 = arith.xori %lt3A_287, %lt3A_289 : i1
      %and3A_291 = arith.andi %ne3A_290, %ne3A_285 : i1
      %add3A_292 = arith.addi %rem3A_283, %select_n3A_282 : i32
      %select_n3A_293 = arith.select %and3A_291, %add3A_292, %rem3A_283 : i32
      %mul3A_294 = arith.constant 8 : i32
      %mul3A_295 = arith.muli %select_n3A_277, %mul3A_294 : i32
      %add3A_296 = arith.addi %mul3A_2, %mul3A_295 : i32
      %jit3A_297 = arith.constant 10 : i32
      %eq3A_298 = arith.constant 0 : i32
      %eq3A_299 = arith.cmpi eq, %jit3A_297, %eq3A_298 : i32
      %jit3A_300 = arith.constant 1 : i32
      %select_n3A_301 = arith.select %eq3A_299, %jit3A_300, %jit3A_297 : i32
      %rem3A_302 = arith.remsi %scan3A_220, %select_n3A_301 : i32
      %ne3A_303 = arith.constant 0 : i32
      %ne3A_304 = arith.cmpi ne, %rem3A_302, %ne3A_303 : i32
      %lt3A_305 = arith.constant 0 : i32
      %lt3A_306 = arith.cmpi slt, %rem3A_302, %lt3A_305 : i32
      %lt3A_307 = arith.constant 0 : i32
      %lt3A_308 = arith.cmpi slt, %select_n3A_301, %lt3A_307 : i32
      %ne3A_309 = arith.xori %lt3A_306, %lt3A_308 : i1
      %and3A_310 = arith.andi %ne3A_309, %ne3A_304 : i1
      %add3A_311 = arith.addi %rem3A_302, %select_n3A_301 : i32
      %select_n3A_312 = arith.select %and3A_310, %add3A_311, %rem3A_302 : i32
      %jit3A_313 = arith.constant 10 : i32
      %eq3A_314 = arith.constant 0 : i32
      %eq3A_315 = arith.cmpi eq, %jit3A_313, %eq3A_314 : i32
      %jit3A_316 = arith.constant 1 : i32
      %select_n3A_317 = arith.select %eq3A_315, %jit3A_316, %jit3A_313 : i32
      %rem3A_318 = arith.remsi %scan3A_220, %select_n3A_317 : i32
      %ne3A_319 = arith.constant 0 : i32
      %ne3A_320 = arith.cmpi ne, %rem3A_318, %ne3A_319 : i32
      %lt3A_321 = arith.constant 0 : i32
      %lt3A_322 = arith.cmpi slt, %rem3A_318, %lt3A_321 : i32
      %lt3A_323 = arith.constant 0 : i32
      %lt3A_324 = arith.cmpi slt, %select_n3A_317, %lt3A_323 : i32
      %ne3A_325 = arith.xori %lt3A_322, %lt3A_324 : i1
      %and3A_326 = arith.andi %ne3A_325, %ne3A_320 : i1
      %add3A_327 = arith.addi %rem3A_318, %select_n3A_317 : i32
      %select_n3A_328 = arith.select %and3A_326, %add3A_327, %rem3A_318 : i32
      %dma_wait3A = arith.constant 0 : i32
      %dma_wait3A_329 = arith.constant 0 : i32
      %dma_wait3A_330 = tpu.memref_slice %arg5[%select_n3A_312, %dma_wait3A, %dma_wait3A_329] : memref<10x8x1024xf32, #tpu.memory_space<vmem>> -> memref<1x8x1024xf32, #tpu.memory_space<vmem>>
      %dma_wait3A_331 = tpu.memref_squeeze %dma_wait3A_330 : memref<1x8x1024xf32, #tpu.memory_space<vmem>> -> memref<8x1024xf32, #tpu.memory_space<vmem>>
      %dma_wait3A_332 = arith.constant 0 : i32
      %dma_wait3A_333 = tpu.memref_slice %arg2[%select_n3A_293, %add3A_296, %dma_wait3A_332] : memref<4x2048x1024xf32, #tpu.memory_space<hbm>> -> memref<1x8x1024xf32, #tpu.memory_space<hbm>>
      %dma_wait3A_334 = tpu.memref_squeeze %dma_wait3A_333 : memref<1x8x1024xf32, #tpu.memory_space<hbm>> -> memref<8x1024xf32, #tpu.memory_space<hbm>>
      %dma_wait3A_335 = tpu.memref_slice %arg7[%select_n3A_328] : memref<10x!tpu.dma_semaphore, #tpu.memory_space<semaphore_mem>> -> memref<1x!tpu.dma_semaphore, #tpu.memory_space<semaphore_mem>>
      %dma_wait3A_336 = tpu.memref_squeeze %dma_wait3A_335 : memref<1x!tpu.dma_semaphore, #tpu.memory_space<semaphore_mem>> -> memref<!tpu.dma_semaphore, #tpu.memory_space<semaphore_mem>>
      %dma_wait3A_337 = arith.constant 0 : i32
      %dma_wait3A_338 = arith.constant 0 : i32
      %dma_wait3A_339 = tpu.memref_slice %arg5[%select_n3A_312, %dma_wait3A_337, %dma_wait3A_338] : memref<10x8x1024xf32, #tpu.memory_space<vmem>> -> memref<1x8x1024xf32, #tpu.memory_space<vmem>>
      %dma_wait3A_340 = tpu.memref_squeeze %dma_wait3A_339 : memref<1x8x1024xf32, #tpu.memory_space<vmem>> -> memref<8x1024xf32, #tpu.memory_space<vmem>>
      %dma_wait3A_341 = arith.constant 0 : i32
      %dma_wait3A_342 = tpu.memref_slice %arg2[%select_n3A_293, %add3A_296, %dma_wait3A_341] : memref<4x2048x1024xf32, #tpu.memory_space<hbm>> -> memref<1x8x1024xf32, #tpu.memory_space<hbm>>
      %dma_wait3A_343 = tpu.memref_squeeze %dma_wait3A_342 : memref<1x8x1024xf32, #tpu.memory_space<hbm>> -> memref<8x1024xf32, #tpu.memory_space<hbm>>
      tpu.wait_dma2 semaphore(%dma_wait3A_336 : memref<!tpu.dma_semaphore, #tpu.memory_space<semaphore_mem>>) src(%dma_wait3A_343 : memref<8x1024xf32, #tpu.memory_space<hbm>>) dst(%dma_wait3A_340 : memref<8x1024xf32, #tpu.memory_space<vmem>>)
      %parallel_loop3A = arith.constant 0 : i32
      %parallel_loop3A_344 = arith.constant 512 : i32
      %parallel_loop3A_345 = arith.constant 1 : i32
      scf.for %parallel_loop3A_446 = %parallel_loop3A to %parallel_loop3A_344 step %parallel_loop3A_345  : i32 {
        %parallel_loop3A_447 = arith.constant 64 : i32
        %parallel_loop3A_448 = arith.divsi %parallel_loop3A_446, %parallel_loop3A_447 : i32
        %parallel_loop3A_449 = arith.constant 0 : i32
        %parallel_loop3A_450 = arith.cmpi sgt, %parallel_loop3A_446, %parallel_loop3A_449 : i32
        %parallel_loop3A_451 = arith.extui %parallel_loop3A_450 : i1 to i32
        %parallel_loop3A_452 = arith.constant 0 : i32
        %parallel_loop3A_453 = arith.cmpi slt, %parallel_loop3A_446, %parallel_loop3A_452 : i32
        %parallel_loop3A_454 = arith.extui %parallel_loop3A_453 : i1 to i32
        %parallel_loop3A_455 = arith.subi %parallel_loop3A_451, %parallel_loop3A_454 : i32
        %parallel_loop3A_456 = arith.constant 0 : i32
        %parallel_loop3A_457 = arith.cmpi sgt, %parallel_loop3A_447, %parallel_loop3A_456 : i32
        %parallel_loop3A_458 = arith.extui %parallel_loop3A_457 : i1 to i32
        %parallel_loop3A_459 = arith.constant 0 : i32
        %parallel_loop3A_460 = arith.cmpi slt, %parallel_loop3A_447, %parallel_loop3A_459 : i32
        %parallel_loop3A_461 = arith.extui %parallel_loop3A_460 : i1 to i32
        %parallel_loop3A_462 = arith.subi %parallel_loop3A_458, %parallel_loop3A_461 : i32
        %parallel_loop3A_463 = arith.cmpi ne, %parallel_loop3A_455, %parallel_loop3A_462 : i32
        %parallel_loop3A_464 = arith.remsi %parallel_loop3A_446, %parallel_loop3A_447 : i32
        %parallel_loop3A_465 = arith.constant 0 : i32
        %parallel_loop3A_466 = arith.cmpi ne, %parallel_loop3A_464, %parallel_loop3A_465 : i32
        %parallel_loop3A_467 = arith.andi %parallel_loop3A_463, %parallel_loop3A_466 : i1
        %parallel_loop3A_468 = arith.constant 1 : i32
        %parallel_loop3A_469 = arith.subi %parallel_loop3A_448, %parallel_loop3A_468 : i32
        %parallel_loop3A_470 = arith.select %parallel_loop3A_467, %parallel_loop3A_469, %parallel_loop3A_448 : i32
        %parallel_loop3A_471 = arith.constant 64 : i32
        %parallel_loop3A_472 = arith.constant 0 : i32
        %parallel_loop3A_473 = arith.cmpi eq, %parallel_loop3A_471, %parallel_loop3A_472 : i32
        %parallel_loop3A_474 = arith.constant 1 : i32
        %parallel_loop3A_475 = arith.select %parallel_loop3A_473, %parallel_loop3A_474, %parallel_loop3A_471 : i32
        %parallel_loop3A_476 = arith.remsi %parallel_loop3A_446, %parallel_loop3A_475 : i32
        %parallel_loop3A_477 = arith.constant 0 : i32
        %parallel_loop3A_478 = arith.cmpi ne, %parallel_loop3A_476, %parallel_loop3A_477 : i32
        %parallel_loop3A_479 = arith.constant 0 : i32
        %parallel_loop3A_480 = arith.cmpi slt, %parallel_loop3A_476, %parallel_loop3A_479 : i32
        %parallel_loop3A_481 = arith.constant 0 : i32
        %parallel_loop3A_482 = arith.cmpi slt, %parallel_loop3A_475, %parallel_loop3A_481 : i32
        %parallel_loop3A_483 = arith.xori %parallel_loop3A_480, %parallel_loop3A_482 : i1
        %parallel_loop3A_484 = arith.andi %parallel_loop3A_483, %parallel_loop3A_478 : i1
        %parallel_loop3A_485 = arith.addi %parallel_loop3A_476, %parallel_loop3A_475 : i32
        %parallel_loop3A_486 = arith.select %parallel_loop3A_484, %parallel_loop3A_485, %parallel_loop3A_476 : i32
        %parallel_loop3A_487 = arith.constant 16 : i32
        %parallel_loop3A_488 = arith.muli %parallel_loop3A_486, %parallel_loop3A_487 : i32
        %parallel_loop3A_489 = arith.constant 10 : i32
        %parallel_loop3A_490 = arith.constant 0 : i32
        %parallel_loop3A_491 = arith.cmpi eq, %parallel_loop3A_489, %parallel_loop3A_490 : i32
        %parallel_loop3A_492 = arith.constant 1 : i32
        %parallel_loop3A_493 = arith.select %parallel_loop3A_491, %parallel_loop3A_492, %parallel_loop3A_489 : i32
        %parallel_loop3A_494 = arith.remsi %scan3A_220, %parallel_loop3A_493 : i32
        %parallel_loop3A_495 = arith.constant 0 : i32
        %parallel_loop3A_496 = arith.cmpi ne, %parallel_loop3A_494, %parallel_loop3A_495 : i32
        %parallel_loop3A_497 = arith.constant 0 : i32
        %parallel_loop3A_498 = arith.cmpi slt, %parallel_loop3A_494, %parallel_loop3A_497 : i32
        %parallel_loop3A_499 = arith.constant 0 : i32
        %parallel_loop3A_500 = arith.cmpi slt, %parallel_loop3A_493, %parallel_loop3A_499 : i32
        %parallel_loop3A_501 = arith.xori %parallel_loop3A_498, %parallel_loop3A_500 : i1
        %parallel_loop3A_502 = arith.andi %parallel_loop3A_501, %parallel_loop3A_496 : i1
        %parallel_loop3A_503 = arith.addi %parallel_loop3A_494, %parallel_loop3A_493 : i32
        %parallel_loop3A_504 = arith.select %parallel_loop3A_502, %parallel_loop3A_503, %parallel_loop3A_494 : i32
        %parallel_loop3A_505 = arith.constant 3 : i32
        %parallel_loop3A_506 = arith.constant 0 : i32
        %parallel_loop3A_507 = arith.cmpi eq, %parallel_loop3A_505, %parallel_loop3A_506 : i32
        %parallel_loop3A_508 = arith.constant 1 : i32
        %parallel_loop3A_509 = arith.select %parallel_loop3A_507, %parallel_loop3A_508, %parallel_loop3A_505 : i32
        %parallel_loop3A_510 = arith.remsi %select_n3A, %parallel_loop3A_509 : i32
        %parallel_loop3A_511 = arith.constant 0 : i32
        %parallel_loop3A_512 = arith.cmpi ne, %parallel_loop3A_510, %parallel_loop3A_511 : i32
        %parallel_loop3A_513 = arith.constant 0 : i32
        %parallel_loop3A_514 = arith.cmpi slt, %parallel_loop3A_510, %parallel_loop3A_513 : i32
        %parallel_loop3A_515 = arith.constant 0 : i32
        %parallel_loop3A_516 = arith.cmpi slt, %parallel_loop3A_509, %parallel_loop3A_515 : i32
        %parallel_loop3A_517 = arith.xori %parallel_loop3A_514, %parallel_loop3A_516 : i1
        %parallel_loop3A_518 = arith.andi %parallel_loop3A_517, %parallel_loop3A_512 : i1
        %parallel_loop3A_519 = arith.addi %parallel_loop3A_510, %parallel_loop3A_509 : i32
        %parallel_loop3A_520 = arith.select %parallel_loop3A_518, %parallel_loop3A_519, %parallel_loop3A_510 : i32
        %parallel_loop3A_521 = arith.index_cast %parallel_loop3A_520 : i32 to index
        %parallel_loop3A_522 = arith.index_cast %parallel_loop3A_470 : i32 to index
        %parallel_loop3A_523 = arith.index_cast %parallel_loop3A_488 : i32 to index
        %parallel_loop3A_524 = tpu.vector_load %arg6[%parallel_loop3A_521, %parallel_loop3A_522, %parallel_loop3A_523] {strides = array<i32>} : memref<3x8x1024xf32, #tpu.memory_space<vmem>>, vector<1x1x16xf32>,
        %parallel_loop3A_525 = vector.shape_cast %parallel_loop3A_524 : vector<1x1x16xf32> to vector<16xf32>
        %parallel_loop3A_526 = arith.index_cast %parallel_loop3A_504 : i32 to index
        %parallel_loop3A_527 = arith.index_cast %parallel_loop3A_470 : i32 to index
        %parallel_loop3A_528 = arith.index_cast %parallel_loop3A_488 : i32 to index
        %parallel_loop3A_529 = tpu.vector_load %arg5[%parallel_loop3A_526, %parallel_loop3A_527, %parallel_loop3A_528] {strides = array<i32>} : memref<10x8x1024xf32, #tpu.memory_space<vmem>>, vector<1x1x16xf32>,
        %parallel_loop3A_530 = vector.shape_cast %parallel_loop3A_529 : vector<1x1x16xf32> to vector<16xf32>
        %parallel_loop3A_531 = vector.shape_cast %parallel_loop3A_525 : vector<16xf32> to vector<1x1x16xf32>
        tpu.vector_store %arg5[%parallel_loop3A_526, %parallel_loop3A_527, %parallel_loop3A_528], %parallel_loop3A_531 {add = true, strides = array<i32>} : memref<10x8x1024xf32, #tpu.memory_space<vmem>>, vector<1x1x16xf32>,
      } {sc.loop_unroll_factor = 8 : i64, sc.parallel_access}
      %jit3A_346 = arith.constant 4 : i32
      %div3A_347 = arith.divsi %scan3A_220, %jit3A_346 : i32
      %sign3A_348 = arith.constant 0 : i32
      %sign3A_349 = arith.cmpi sgt, %scan3A_220, %sign3A_348 : i32
      %sign3A_350 = arith.extui %sign3A_349 : i1 to i32
      %sign3A_351 = arith.constant 0 : i32
      %sign3A_352 = arith.cmpi slt, %scan3A_220, %sign3A_351 : i32
      %sign3A_353 = arith.extui %sign3A_352 : i1 to i32
      %sign3A_354 = arith.subi %sign3A_350, %sign3A_353 : i32
      %sign3A_355 = arith.constant 0 : i32
      %sign3A_356 = arith.cmpi sgt, %jit3A_346, %sign3A_355 : i32
      %sign3A_357 = arith.extui %sign3A_356 : i1 to i32
      %sign3A_358 = arith.constant 0 : i32
      %sign3A_359 = arith.cmpi slt, %jit3A_346, %sign3A_358 : i32
      %sign3A_360 = arith.extui %sign3A_359 : i1 to i32
      %sign3A_361 = arith.subi %sign3A_357, %sign3A_360 : i32
      %ne3A_362 = arith.cmpi ne, %sign3A_354, %sign3A_361 : i32
      %rem3A_363 = arith.remsi %scan3A_220, %jit3A_346 : i32
      %ne3A_364 = arith.constant 0 : i32
      %ne3A_365 = arith.cmpi ne, %rem3A_363, %ne3A_364 : i32
      %and3A_366 = arith.andi %ne3A_362, %ne3A_365 : i1
      %sub3A_367 = arith.constant 1 : i32
      %sub3A_368 = arith.subi %div3A_347, %sub3A_367 : i32
      %select_n3A_369 = arith.select %and3A_366, %sub3A_368, %div3A_347 : i32
      %jit3A_370 = arith.constant 4 : i32
      %eq3A_371 = arith.constant 0 : i32
      %eq3A_372 = arith.cmpi eq, %jit3A_370, %eq3A_371 : i32
      %jit3A_373 = arith.constant 1 : i32
      %select_n3A_374 = arith.select %eq3A_372, %jit3A_373, %jit3A_370 : i32
      %rem3A_375 = arith.remsi %scan3A_220, %select_n3A_374 : i32
      %ne3A_376 = arith.constant 0 : i32
      %ne3A_377 = arith.cmpi ne, %rem3A_375, %ne3A_376 : i32
      %lt3A_378 = arith.constant 0 : i32
      %lt3A_379 = arith.cmpi slt, %rem3A_375, %lt3A_378 : i32
      %lt3A_380 = arith.constant 0 : i32
      %lt3A_381 = arith.cmpi slt, %select_n3A_374, %lt3A_380 : i32
      %ne3A_382 = arith.xori %lt3A_379, %lt3A_381 : i1
      %and3A_383 = arith.andi %ne3A_382, %ne3A_377 : i1
      %add3A_384 = arith.addi %rem3A_375, %select_n3A_374 : i32
      %select_n3A_385 = arith.select %and3A_383, %add3A_384, %rem3A_375 : i32
      %jit3A_386 = arith.constant 10 : i32
      %eq3A_387 = arith.constant 0 : i32
      %eq3A_388 = arith.cmpi eq, %jit3A_386, %eq3A_387 : i32
      %jit3A_389 = arith.constant 1 : i32
      %select_n3A_390 = arith.select %eq3A_388, %jit3A_389, %jit3A_386 : i32
      %rem3A_391 = arith.remsi %scan3A_220, %select_n3A_390 : i32
      %ne3A_392 = arith.constant 0 : i32
      %ne3A_393 = arith.cmpi ne, %rem3A_391, %ne3A_392 : i32
      %lt3A_394 = arith.constant 0 : i32
      %lt3A_395 = arith.cmpi slt, %rem3A_391, %lt3A_394 : i32
      %lt3A_396 = arith.constant 0 : i32
      %lt3A_397 = arith.cmpi slt, %select_n3A_390, %lt3A_396 : i32
      %ne3A_398 = arith.xori %lt3A_395, %lt3A_397 : i1
      %and3A_399 = arith.andi %ne3A_398, %ne3A_393 : i1
      %add3A_400 = arith.addi %rem3A_391, %select_n3A_390 : i32
      %select_n3A_401 = arith.select %and3A_399, %add3A_400, %rem3A_391 : i32
      %mul3A_402 = arith.constant 8 : i32
      %mul3A_403 = arith.muli %select_n3A_369, %mul3A_402 : i32
      %add3A_404 = arith.addi %mul3A_2, %mul3A_403 : i32
      %jit3A_405 = arith.constant 10 : i32
      %eq3A_406 = arith.constant 0 : i32
      %eq3A_407 = arith.cmpi eq, %jit3A_405, %eq3A_406 : i32
      %jit3A_408 = arith.constant 1 : i32
      %select_n3A_409 = arith.select %eq3A_407, %jit3A_408, %jit3A_405 : i32
      %rem3A_410 = arith.remsi %scan3A_220, %select_n3A_409 : i32
      %ne3A_411 = arith.constant 0 : i32
      %ne3A_412 = arith.cmpi ne, %rem3A_410, %ne3A_411 : i32
      %lt3A_413 = arith.constant 0 : i32
      %lt3A_414 = arith.cmpi slt, %rem3A_410, %lt3A_413 : i32
      %lt3A_415 = arith.constant 0 : i32
      %lt3A_416 = arith.cmpi slt, %select_n3A_409, %lt3A_415 : i32
      %ne3A_417 = arith.xori %lt3A_414, %lt3A_416 : i1
      %and3A_418 = arith.andi %ne3A_417, %ne3A_412 : i1
      %add3A_419 = arith.addi %rem3A_410, %select_n3A_409 : i32
      %select_n3A_420 = arith.select %and3A_418, %add3A_419, %rem3A_410 : i32
      %dma_start3A_421 = arith.constant 0 : i32
      %dma_start3A_422 = arith.constant 0 : i32
      %dma_start3A_423 = tpu.memref_slice %arg5[%select_n3A_401, %dma_start3A_421, %dma_start3A_422] : memref<10x8x1024xf32, #tpu.memory_space<vmem>> -> memref<1x8x1024xf32, #tpu.memory_space<vmem>>
      %dma_start3A_424 = tpu.memref_squeeze %dma_start3A_423 : memref<1x8x1024xf32, #tpu.memory_space<vmem>> -> memref<8x1024xf32, #tpu.memory_space<vmem>>
      %dma_start3A_425 = arith.constant 0 : i32
      %dma_start3A_426 = tpu.memref_slice %arg4[%select_n3A_385, %add3A_404, %dma_start3A_425] : memref<4x2048x1024xf32, #tpu.memory_space<hbm>> -> memref<1x8x1024xf32, #tpu.memory_space<hbm>>
      %dma_start3A_427 = tpu.memref_squeeze %dma_start3A_426 : memref<1x8x1024xf32, #tpu.memory_space<hbm>> -> memref<8x1024xf32, #tpu.memory_space<hbm>>
      %dma_start3A_428 = tpu.memref_slice %arg8[%select_n3A_420] : memref<10x!tpu.dma_semaphore, #tpu.memory_space<semaphore_mem>> -> memref<1x!tpu.dma_semaphore, #tpu.memory_space<semaphore_mem>>
      %dma_start3A_429 = tpu.memref_squeeze %dma_start3A_428 : memref<1x!tpu.dma_semaphore, #tpu.memory_space<semaphore_mem>> -> memref<!tpu.dma_semaphore, #tpu.memory_space<semaphore_mem>>
      %dma_start3A_430 = arith.constant 0 : i32
      %dma_start3A_431 = tpu.memref_slice %arg4[%select_n3A_385, %add3A_404, %dma_start3A_430] : memref<4x2048x1024xf32, #tpu.memory_space<hbm>> -> memref<1x8x1024xf32, #tpu.memory_space<hbm>>
      %dma_start3A_432 = tpu.memref_squeeze %dma_start3A_431 : memref<1x8x1024xf32, #tpu.memory_space<hbm>> -> memref<8x1024xf32, #tpu.memory_space<hbm>>
      %dma_start3A_433 = arith.constant 0 : i32
      %dma_start3A_434 = arith.constant 0 : i32
      %dma_start3A_435 = tpu.memref_slice %arg5[%select_n3A_401, %dma_start3A_433, %dma_start3A_434] : memref<10x8x1024xf32, #tpu.memory_space<vmem>> -> memref<1x8x1024xf32, #tpu.memory_space<vmem>>
      %dma_start3A_436 = tpu.memref_squeeze %dma_start3A_435 : memref<1x8x1024xf32, #tpu.memory_space<vmem>> -> memref<8x1024xf32, #tpu.memory_space<vmem>>
      tpu.enqueue_dma source(%dma_start3A_436 : memref<8x1024xf32, #tpu.memory_space<vmem>>) target(%dma_start3A_432 : memref<8x1024xf32, #tpu.memory_space<hbm>>) target_semaphore(%dma_start3A_429 : memref<!tpu.dma_semaphore, #tpu.memory_space<semaphore_mem>>)
      %add3A_437 = arith.constant 10 : i32
      %add3A_438 = arith.addi %scan3A_220, %add3A_437 : i32
      %sub3A_439 = arith.constant 1 : i32
      %sub3A_440 = arith.subi %add3A_438, %sub3A_439 : i32
      %lt3A_441 = arith.constant 32 : i32
      %lt3A_442 = arith.cmpi slt, %sub3A_440, %lt3A_441 : i32
      %convert_element_type3A_443 = arith.extui %lt3A_442 : i1 to i32
      %cond3A_444 = arith.constant 0 : i32
      %cond3A_445 = arith.cmpi ne, %convert_element_type3A_443, %cond3A_444 : i32
      scf.if %cond3A_445 {
        %ge3A = arith.constant 1 : i32
        %ge3A_446 = arith.cmpi sge, %scan3A_220, %ge3A : i32
        %convert_element_type3A_447 = arith.extui %ge3A_446 : i1 to i32
        %cond3A_448 = arith.constant 0 : i32
        %cond3A_449 = arith.cmpi ne, %convert_element_type3A_447, %cond3A_448 : i32
        scf.if %cond3A_449 {
          %sub3A_545 = arith.constant 1 : i32
          %sub3A_546 = arith.subi %scan3A_220, %sub3A_545 : i32
          %jit3A_547 = arith.constant 4 : i32
          %div3A_548 = arith.divsi %sub3A_546, %jit3A_547 : i32
          %sign3A_549 = arith.constant 0 : i32
          %sign3A_550 = arith.cmpi sgt, %sub3A_546, %sign3A_549 : i32
          %sign3A_551 = arith.extui %sign3A_550 : i1 to i32
          %sign3A_552 = arith.constant 0 : i32
          %sign3A_553 = arith.cmpi slt, %sub3A_546, %sign3A_552 : i32
          %sign3A_554 = arith.extui %sign3A_553 : i1 to i32
          %sign3A_555 = arith.subi %sign3A_551, %sign3A_554 : i32
          %sign3A_556 = arith.constant 0 : i32
          %sign3A_557 = arith.cmpi sgt, %jit3A_547, %sign3A_556 : i32
          %sign3A_558 = arith.extui %sign3A_557 : i1 to i32
          %sign3A_559 = arith.constant 0 : i32
          %sign3A_560 = arith.cmpi slt, %jit3A_547, %sign3A_559 : i32
          %sign3A_561 = arith.extui %sign3A_560 : i1 to i32
          %sign3A_562 = arith.subi %sign3A_558, %sign3A_561 : i32
          %ne3A_563 = arith.cmpi ne, %sign3A_555, %sign3A_562 : i32
          %rem3A_564 = arith.remsi %sub3A_546, %jit3A_547 : i32
          %ne3A_565 = arith.constant 0 : i32
          %ne3A_566 = arith.cmpi ne, %rem3A_564, %ne3A_565 : i32
          %and3A_567 = arith.andi %ne3A_563, %ne3A_566 : i1
          %sub3A_568 = arith.constant 1 : i32
          %sub3A_569 = arith.subi %div3A_548, %sub3A_568 : i32
          %select_n3A_570 = arith.select %and3A_567, %sub3A_569, %div3A_548 : i32
          %jit3A_571 = arith.constant 4 : i32
          %eq3A_572 = arith.constant 0 : i32
          %eq3A_573 = arith.cmpi eq, %jit3A_571, %eq3A_572 : i32
          %jit3A_574 = arith.constant 1 : i32
          %select_n3A_575 = arith.select %eq3A_573, %jit3A_574, %jit3A_571 : i32
          %rem3A_576 = arith.remsi %sub3A_546, %select_n3A_575 : i32
          %ne3A_577 = arith.constant 0 : i32
          %ne3A_578 = arith.cmpi ne, %rem3A_576, %ne3A_577 : i32
          %lt3A_579 = arith.constant 0 : i32
          %lt3A_580 = arith.cmpi slt, %rem3A_576, %lt3A_579 : i32
          %lt3A_581 = arith.constant 0 : i32
          %lt3A_582 = arith.cmpi slt, %select_n3A_575, %lt3A_581 : i32
          %ne3A_583 = arith.xori %lt3A_580, %lt3A_582 : i1
          %and3A_584 = arith.andi %ne3A_583, %ne3A_578 : i1
          %add3A_585 = arith.addi %rem3A_576, %select_n3A_575 : i32
          %select_n3A_586 = arith.select %and3A_584, %add3A_585, %rem3A_576 : i32
          %jit3A_587 = arith.constant 10 : i32
          %eq3A_588 = arith.constant 0 : i32
          %eq3A_589 = arith.cmpi eq, %jit3A_587, %eq3A_588 : i32
          %jit3A_590 = arith.constant 1 : i32
          %select_n3A_591 = arith.select %eq3A_589, %jit3A_590, %jit3A_587 : i32
          %rem3A_592 = arith.remsi %sub3A_546, %select_n3A_591 : i32
          %ne3A_593 = arith.constant 0 : i32
          %ne3A_594 = arith.cmpi ne, %rem3A_592, %ne3A_593 : i32
          %lt3A_595 = arith.constant 0 : i32
          %lt3A_596 = arith.cmpi slt, %rem3A_592, %lt3A_595 : i32
          %lt3A_597 = arith.constant 0 : i32
          %lt3A_598 = arith.cmpi slt, %select_n3A_591, %lt3A_597 : i32
          %ne3A_599 = arith.xori %lt3A_596, %lt3A_598 : i1
          %and3A_600 = arith.andi %ne3A_599, %ne3A_594 : i1
          %add3A_601 = arith.addi %rem3A_592, %select_n3A_591 : i32
          %select_n3A_602 = arith.select %and3A_600, %add3A_601, %rem3A_592 : i32
          %mul3A_603 = arith.constant 8 : i32
          %mul3A_604 = arith.muli %select_n3A_570, %mul3A_603 : i32
          %add3A_605 = arith.addi %mul3A_2, %mul3A_604 : i32
          %jit3A_606 = arith.constant 10 : i32
          %eq3A_607 = arith.constant 0 : i32
          %eq3A_608 = arith.cmpi eq, %jit3A_606, %eq3A_607 : i32
          %jit3A_609 = arith.constant 1 : i32
          %select_n3A_610 = arith.select %eq3A_608, %jit3A_609, %jit3A_606 : i32
          %rem3A_611 = arith.remsi %sub3A_546, %select_n3A_610 : i32
          %ne3A_612 = arith.constant 0 : i32
          %ne3A_613 = arith.cmpi ne, %rem3A_611, %ne3A_612 : i32
          %lt3A_614 = arith.constant 0 : i32
          %lt3A_615 = arith.cmpi slt, %rem3A_611, %lt3A_614 : i32
          %lt3A_616 = arith.constant 0 : i32
          %lt3A_617 = arith.cmpi slt, %select_n3A_610, %lt3A_616 : i32
          %ne3A_618 = arith.xori %lt3A_615, %lt3A_617 : i1
          %and3A_619 = arith.andi %ne3A_618, %ne3A_613 : i1
          %add3A_620 = arith.addi %rem3A_611, %select_n3A_610 : i32
          %select_n3A_621 = arith.select %and3A_619, %add3A_620, %rem3A_611 : i32
          %dma_wait3A_622 = arith.constant 0 : i32
          %dma_wait3A_623 = arith.constant 0 : i32
          %dma_wait3A_624 = tpu.memref_slice %arg5[%select_n3A_602, %dma_wait3A_622, %dma_wait3A_623] : memref<10x8x1024xf32, #tpu.memory_space<vmem>> -> memref<1x8x1024xf32, #tpu.memory_space<vmem>>
          %dma_wait3A_625 = tpu.memref_squeeze %dma_wait3A_624 : memref<1x8x1024xf32, #tpu.memory_space<vmem>> -> memref<8x1024xf32, #tpu.memory_space<vmem>>
          %dma_wait3A_626 = arith.constant 0 : i32
          %dma_wait3A_627 = tpu.memref_slice %arg4[%select_n3A_586, %add3A_605, %dma_wait3A_626] : memref<4x2048x1024xf32, #tpu.memory_space<hbm>> -> memref<1x8x1024xf32, #tpu.memory_space<hbm>>
          %dma_wait3A_628 = tpu.memref_squeeze %dma_wait3A_627 : memref<1x8x1024xf32, #tpu.memory_space<hbm>> -> memref<8x1024xf32, #tpu.memory_space<hbm>>
          %dma_wait3A_629 = tpu.memref_slice %arg8[%select_n3A_621] : memref<10x!tpu.dma_semaphore, #tpu.memory_space<semaphore_mem>> -> memref<1x!tpu.dma_semaphore, #tpu.memory_space<semaphore_mem>>
          %dma_wait3A_630 = tpu.memref_squeeze %dma_wait3A_629 : memref<1x!tpu.dma_semaphore, #tpu.memory_space<semaphore_mem>> -> memref<!tpu.dma_semaphore, #tpu.memory_space<semaphore_mem>>
          %dma_wait3A_631 = arith.constant 0 : i32
          %dma_wait3A_632 = tpu.memref_slice %arg4[%select_n3A_586, %add3A_605, %dma_wait3A_631] : memref<4x2048x1024xf32, #tpu.memory_space<hbm>> -> memref<1x8x1024xf32, #tpu.memory_space<hbm>>
          %dma_wait3A_633 = tpu.memref_squeeze %dma_wait3A_632 : memref<1x8x1024xf32, #tpu.memory_space<hbm>> -> memref<8x1024xf32, #tpu.memory_space<hbm>>
          %dma_wait3A_634 = arith.constant 0 : i32
          %dma_wait3A_635 = arith.constant 0 : i32
          %dma_wait3A_636 = tpu.memref_slice %arg5[%select_n3A_602, %dma_wait3A_634, %dma_wait3A_635] : memref<10x8x1024xf32, #tpu.memory_space<vmem>> -> memref<1x8x1024xf32, #tpu.memory_space<vmem>>
          %dma_wait3A_637 = tpu.memref_squeeze %dma_wait3A_636 : memref<1x8x1024xf32, #tpu.memory_space<vmem>> -> memref<8x1024xf32, #tpu.memory_space<vmem>>
          tpu.wait_dma2 semaphore(%dma_wait3A_630 : memref<!tpu.dma_semaphore, #tpu.memory_space<semaphore_mem>>) src(%dma_wait3A_637 : memref<8x1024xf32, #tpu.memory_space<vmem>>) dst(%dma_wait3A_633 : memref<8x1024xf32, #tpu.memory_space<hbm>>)
        } else {
        }
        %add3A_450 = arith.constant 10 : i32
        %add3A_451 = arith.addi %scan3A_220, %add3A_450 : i32
        %sub3A_452 = arith.constant 1 : i32
        %sub3A_453 = arith.subi %add3A_451, %sub3A_452 : i32
        %jit3A_454 = arith.constant 4 : i32
        %div3A_455 = arith.divsi %sub3A_453, %jit3A_454 : i32
        %sign3A_456 = arith.constant 0 : i32
        %sign3A_457 = arith.cmpi sgt, %sub3A_453, %sign3A_456 : i32
        %sign3A_458 = arith.extui %sign3A_457 : i1 to i32
        %sign3A_459 = arith.constant 0 : i32
        %sign3A_460 = arith.cmpi slt, %sub3A_453, %sign3A_459 : i32
        %sign3A_461 = arith.extui %sign3A_460 : i1 to i32
        %sign3A_462 = arith.subi %sign3A_458, %sign3A_461 : i32
        %sign3A_463 = arith.constant 0 : i32
        %sign3A_464 = arith.cmpi sgt, %jit3A_454, %sign3A_463 : i32
        %sign3A_465 = arith.extui %sign3A_464 : i1 to i32
        %sign3A_466 = arith.constant 0 : i32
        %sign3A_467 = arith.cmpi slt, %jit3A_454, %sign3A_466 : i32
        %sign3A_468 = arith.extui %sign3A_467 : i1 to i32
        %sign3A_469 = arith.subi %sign3A_465, %sign3A_468 : i32
        %ne3A_470 = arith.cmpi ne, %sign3A_462, %sign3A_469 : i32
        %rem3A_471 = arith.remsi %sub3A_453, %jit3A_454 : i32
        %ne3A_472 = arith.constant 0 : i32
        %ne3A_473 = arith.cmpi ne, %rem3A_471, %ne3A_472 : i32
        %and3A_474 = arith.andi %ne3A_470, %ne3A_473 : i1
        %sub3A_475 = arith.constant 1 : i32
        %sub3A_476 = arith.subi %div3A_455, %sub3A_475 : i32
        %select_n3A_477 = arith.select %and3A_474, %sub3A_476, %div3A_455 : i32
        %jit3A_478 = arith.constant 4 : i32
        %eq3A_479 = arith.constant 0 : i32
        %eq3A_480 = arith.cmpi eq, %jit3A_478, %eq3A_479 : i32
        %jit3A_481 = arith.constant 1 : i32
        %select_n3A_482 = arith.select %eq3A_480, %jit3A_481, %jit3A_478 : i32
        %rem3A_483 = arith.remsi %sub3A_453, %select_n3A_482 : i32
        %ne3A_484 = arith.constant 0 : i32
        %ne3A_485 = arith.cmpi ne, %rem3A_483, %ne3A_484 : i32
        %lt3A_486 = arith.constant 0 : i32
        %lt3A_487 = arith.cmpi slt, %rem3A_483, %lt3A_486 : i32
        %lt3A_488 = arith.constant 0 : i32
        %lt3A_489 = arith.cmpi slt, %select_n3A_482, %lt3A_488 : i32
        %ne3A_490 = arith.xori %lt3A_487, %lt3A_489 : i1
        %and3A_491 = arith.andi %ne3A_490, %ne3A_485 : i1
        %add3A_492 = arith.addi %rem3A_483, %select_n3A_482 : i32
        %select_n3A_493 = arith.select %and3A_491, %add3A_492, %rem3A_483 : i32
        %mul3A_494 = arith.constant 8 : i32
        %mul3A_495 = arith.muli %select_n3A_477, %mul3A_494 : i32
        %add3A_496 = arith.addi %mul3A_2, %mul3A_495 : i32
        %jit3A_497 = arith.constant 10 : i32
        %eq3A_498 = arith.constant 0 : i32
        %eq3A_499 = arith.cmpi eq, %jit3A_497, %eq3A_498 : i32
        %jit3A_500 = arith.constant 1 : i32
        %select_n3A_501 = arith.select %eq3A_499, %jit3A_500, %jit3A_497 : i32
        %rem3A_502 = arith.remsi %sub3A_453, %select_n3A_501 : i32
        %ne3A_503 = arith.constant 0 : i32
        %ne3A_504 = arith.cmpi ne, %rem3A_502, %ne3A_503 : i32
        %lt3A_505 = arith.constant 0 : i32
        %lt3A_506 = arith.cmpi slt, %rem3A_502, %lt3A_505 : i32
        %lt3A_507 = arith.constant 0 : i32
        %lt3A_508 = arith.cmpi slt, %select_n3A_501, %lt3A_507 : i32
        %ne3A_509 = arith.xori %lt3A_506, %lt3A_508 : i1
        %and3A_510 = arith.andi %ne3A_509, %ne3A_504 : i1
        %add3A_511 = arith.addi %rem3A_502, %select_n3A_501 : i32
        %select_n3A_512 = arith.select %and3A_510, %add3A_511, %rem3A_502 : i32
        %jit3A_513 = arith.constant 10 : i32
        %eq3A_514 = arith.constant 0 : i32
        %eq3A_515 = arith.cmpi eq, %jit3A_513, %eq3A_514 : i32
        %jit3A_516 = arith.constant 1 : i32
        %select_n3A_517 = arith.select %eq3A_515, %jit3A_516, %jit3A_513 : i32
        %rem3A_518 = arith.remsi %sub3A_453, %select_n3A_517 : i32
        %ne3A_519 = arith.constant 0 : i32
        %ne3A_520 = arith.cmpi ne, %rem3A_518, %ne3A_519 : i32
        %lt3A_521 = arith.constant 0 : i32
        %lt3A_522 = arith.cmpi slt, %rem3A_518, %lt3A_521 : i32
        %lt3A_523 = arith.constant 0 : i32
        %lt3A_524 = arith.cmpi slt, %select_n3A_517, %lt3A_523 : i32
        %ne3A_525 = arith.xori %lt3A_522, %lt3A_524 : i1
        %and3A_526 = arith.andi %ne3A_525, %ne3A_520 : i1
        %add3A_527 = arith.addi %rem3A_518, %select_n3A_517 : i32
        %select_n3A_528 = arith.select %and3A_526, %add3A_527, %rem3A_518 : i32
        %dma_start3A_529 = arith.constant 0 : i32
        %dma_start3A_530 = arith.constant 0 : i32
        %dma_start3A_531 = tpu.memref_slice %arg5[%select_n3A_512, %dma_start3A_529, %dma_start3A_530] : memref<10x8x1024xf32, #tpu.memory_space<vmem>> -> memref<1x8x1024xf32, #tpu.memory_space<vmem>>
        %dma_start3A_532 = tpu.memref_squeeze %dma_start3A_531 : memref<1x8x1024xf32, #tpu.memory_space<vmem>> -> memref<8x1024xf32, #tpu.memory_space<vmem>>
        %dma_start3A_533 = arith.constant 0 : i32
        %dma_start3A_534 = tpu.memref_slice %arg2[%select_n3A_493, %add3A_496, %dma_start3A_533] : memref<4x2048x1024xf32, #tpu.memory_space<hbm>> -> memref<1x8x1024xf32, #tpu.memory_space<hbm>>
        %dma_start3A_535 = tpu.memref_squeeze %dma_start3A_534 : memref<1x8x1024xf32, #tpu.memory_space<hbm>> -> memref<8x1024xf32, #tpu.memory_space<hbm>>
        %dma_start3A_536 = tpu.memref_slice %arg7[%select_n3A_528] : memref<10x!tpu.dma_semaphore, #tpu.memory_space<semaphore_mem>> -> memref<1x!tpu.dma_semaphore, #tpu.memory_space<semaphore_mem>>
        %dma_start3A_537 = tpu.memref_squeeze %dma_start3A_536 : memref<1x!tpu.dma_semaphore, #tpu.memory_space<semaphore_mem>> -> memref<!tpu.dma_semaphore, #tpu.memory_space<semaphore_mem>>
        %dma_start3A_538 = arith.constant 0 : i32
        %dma_start3A_539 = arith.constant 0 : i32
        %dma_start3A_540 = tpu.memref_slice %arg5[%select_n3A_512, %dma_start3A_538, %dma_start3A_539] : memref<10x8x1024xf32, #tpu.memory_space<vmem>> -> memref<1x8x1024xf32, #tpu.memory_space<vmem>>
        %dma_start3A_541 = tpu.memref_squeeze %dma_start3A_540 : memref<1x8x1024xf32, #tpu.memory_space<vmem>> -> memref<8x1024xf32, #tpu.memory_space<vmem>>
        %dma_start3A_542 = arith.constant 0 : i32
        %dma_start3A_543 = tpu.memref_slice %arg2[%select_n3A_493, %add3A_496, %dma_start3A_542] : memref<4x2048x1024xf32, #tpu.memory_space<hbm>> -> memref<1x8x1024xf32, #tpu.memory_space<hbm>>
        %dma_start3A_544 = tpu.memref_squeeze %dma_start3A_543 : memref<1x8x1024xf32, #tpu.memory_space<hbm>> -> memref<8x1024xf32, #tpu.memory_space<hbm>>
        tpu.enqueue_dma source(%dma_start3A_544 : memref<8x1024xf32, #tpu.memory_space<hbm>>) target(%dma_start3A_541 : memref<8x1024xf32, #tpu.memory_space<vmem>>) target_semaphore(%dma_start3A_537 : memref<!tpu.dma_semaphore, #tpu.memory_space<semaphore_mem>>)
      } else {
      }
    }
    %scan3A_213 = arith.constant 32 : i32
    %scan3A_214 = arith.constant 0 : i32
    %scan3A_215 = arith.constant 22 : i32
    %scan3A_216 = arith.constant 10 : i32
    %scan3A_217 = arith.addi %scan3A_215, %scan3A_216 : i32
    %scan3A_218 = arith.constant 1 : i32
    scf.for %scan3A_220 = %scan3A_215 to %scan3A_217 step %scan3A_218  : i32 {
      %jit3A = arith.constant 4 : i32
      %div3A = arith.divsi %scan3A_220, %jit3A : i32
      %sign3A = arith.constant 0 : i32
      %sign3A_221 = arith.cmpi sgt, %scan3A_220, %sign3A : i32
      %sign3A_222 = arith.extui %sign3A_221 : i1 to i32
      %sign3A_223 = arith.constant 0 : i32
      %sign3A_224 = arith.cmpi slt, %scan3A_220, %sign3A_223 : i32
      %sign3A_225 = arith.extui %sign3A_224 : i1 to i32
      %sign3A_226 = arith.subi %sign3A_222, %sign3A_225 : i32
      %sign3A_227 = arith.constant 0 : i32
      %sign3A_228 = arith.cmpi sgt, %jit3A, %sign3A_227 : i32
      %sign3A_229 = arith.extui %sign3A_228 : i1 to i32
      %sign3A_230 = arith.constant 0 : i32
      %sign3A_231 = arith.cmpi slt, %jit3A, %sign3A_230 : i32
      %sign3A_232 = arith.extui %sign3A_231 : i1 to i32
      %sign3A_233 = arith.subi %sign3A_229, %sign3A_232 : i32
      %ne3A = arith.cmpi ne, %sign3A_226, %sign3A_233 : i32
      %rem3A = arith.remsi %scan3A_220, %jit3A : i32
      %ne3A_234 = arith.constant 0 : i32
      %ne3A_235 = arith.cmpi ne, %rem3A, %ne3A_234 : i32
      %and3A = arith.andi %ne3A, %ne3A_235 : i1
      %sub3A = arith.constant 1 : i32
      %sub3A_236 = arith.subi %div3A, %sub3A : i32
      %select_n3A = arith.select %and3A, %sub3A_236, %div3A : i32
      %jit3A_237 = arith.constant 4 : i32
      %eq3A = arith.constant 0 : i32
      %eq3A_238 = arith.cmpi eq, %jit3A_237, %eq3A : i32
      %jit3A_239 = arith.constant 1 : i32
      %select_n3A_240 = arith.select %eq3A_238, %jit3A_239, %jit3A_237 : i32
      %rem3A_241 = arith.remsi %scan3A_220, %select_n3A_240 : i32
      %ne3A_242 = arith.constant 0 : i32
      %ne3A_243 = arith.cmpi ne, %rem3A_241, %ne3A_242 : i32
      %lt3A = arith.constant 0 : i32
      %lt3A_244 = arith.cmpi slt, %rem3A_241, %lt3A : i32
      %lt3A_245 = arith.constant 0 : i32
      %lt3A_246 = arith.cmpi slt, %select_n3A_240, %lt3A_245 : i32
      %ne3A_247 = arith.xori %lt3A_244, %lt3A_246 : i1
      %and3A_248 = arith.andi %ne3A_247, %ne3A_243 : i1
      %add3A_249 = arith.addi %rem3A_241, %select_n3A_240 : i32
      %select_n3A_250 = arith.select %and3A_248, %add3A_249, %rem3A_241 : i32
      %jit3A_251 = arith.constant 10 : i32
      %eq3A_252 = arith.constant 0 : i32
      %eq3A_253 = arith.cmpi eq, %jit3A_251, %eq3A_252 : i32
      %jit3A_254 = arith.constant 1 : i32
      %select_n3A_255 = arith.select %eq3A_253, %jit3A_254, %jit3A_251 : i32
      %rem3A_256 = arith.remsi %scan3A_220, %select_n3A_255 : i32
      %ne3A_257 = arith.constant 0 : i32
      %ne3A_258 = arith.cmpi ne, %rem3A_256, %ne3A_257 : i32
      %lt3A_259 = arith.constant 0 : i32
      %lt3A_260 = arith.cmpi slt, %rem3A_256, %lt3A_259 : i32
      %lt3A_261 = arith.constant 0 : i32
      %lt3A_262 = arith.cmpi slt, %select_n3A_255, %lt3A_261 : i32
      %ne3A_263 = arith.xori %lt3A_260, %lt3A_262 : i1
      %and3A_264 = arith.andi %ne3A_263, %ne3A_258 : i1
      %add3A_265 = arith.addi %rem3A_256, %select_n3A_255 : i32
      %select_n3A_266 = arith.select %and3A_264, %add3A_265, %rem3A_256 : i32
      %mul3A_267 = arith.constant 8 : i32
      %mul3A_268 = arith.muli %select_n3A, %mul3A_267 : i32
      %add3A_269 = arith.addi %mul3A_2, %mul3A_268 : i32
      %jit3A_270 = arith.constant 10 : i32
      %eq3A_271 = arith.constant 0 : i32
      %eq3A_272 = arith.cmpi eq, %jit3A_270, %eq3A_271 : i32
      %jit3A_273 = arith.constant 1 : i32
      %select_n3A_274 = arith.select %eq3A_272, %jit3A_273, %jit3A_270 : i32
      %rem3A_275 = arith.remsi %scan3A_220, %select_n3A_274 : i32
      %ne3A_276 = arith.constant 0 : i32
      %ne3A_277 = arith.cmpi ne, %rem3A_275, %ne3A_276 : i32
      %lt3A_278 = arith.constant 0 : i32
      %lt3A_279 = arith.cmpi slt, %rem3A_275, %lt3A_278 : i32
      %lt3A_280 = arith.constant 0 : i32
      %lt3A_281 = arith.cmpi slt, %select_n3A_274, %lt3A_280 : i32
      %ne3A_282 = arith.xori %lt3A_279, %lt3A_281 : i1
      %and3A_283 = arith.andi %ne3A_282, %ne3A_277 : i1
      %add3A_284 = arith.addi %rem3A_275, %select_n3A_274 : i32
      %select_n3A_285 = arith.select %and3A_283, %add3A_284, %rem3A_275 : i32
      %dma_wait3A = arith.constant 0 : i32
      %dma_wait3A_286 = arith.constant 0 : i32
      %dma_wait3A_287 = tpu.memref_slice %arg5[%select_n3A_266, %dma_wait3A, %dma_wait3A_286] : memref<10x8x1024xf32, #tpu.memory_space<vmem>> -> memref<1x8x1024xf32, #tpu.memory_space<vmem>>
      %dma_wait3A_288 = tpu.memref_squeeze %dma_wait3A_287 : memref<1x8x1024xf32, #tpu.memory_space<vmem>> -> memref<8x1024xf32, #tpu.memory_space<vmem>>
      %dma_wait3A_289 = arith.constant 0 : i32
      %dma_wait3A_290 = tpu.memref_slice %arg4[%select_n3A_250, %add3A_269, %dma_wait3A_289] : memref<4x2048x1024xf32, #tpu.memory_space<hbm>> -> memref<1x8x1024xf32, #tpu.memory_space<hbm>>
      %dma_wait3A_291 = tpu.memref_squeeze %dma_wait3A_290 : memref<1x8x1024xf32, #tpu.memory_space<hbm>> -> memref<8x1024xf32, #tpu.memory_space<hbm>>
      %dma_wait3A_292 = tpu.memref_slice %arg8[%select_n3A_285] : memref<10x!tpu.dma_semaphore, #tpu.memory_space<semaphore_mem>> -> memref<1x!tpu.dma_semaphore, #tpu.memory_space<semaphore_mem>>
      %dma_wait3A_293 = tpu.memref_squeeze %dma_wait3A_292 : memref<1x!tpu.dma_semaphore, #tpu.memory_space<semaphore_mem>> -> memref<!tpu.dma_semaphore, #tpu.memory_space<semaphore_mem>>
      %dma_wait3A_294 = arith.constant 0 : i32
      %dma_wait3A_295 = tpu.memref_slice %arg4[%select_n3A_250, %add3A_269, %dma_wait3A_294] : memref<4x2048x1024xf32, #tpu.memory_space<hbm>> -> memref<1x8x1024xf32, #tpu.memory_space<hbm>>
      %dma_wait3A_296 = tpu.memref_squeeze %dma_wait3A_295 : memref<1x8x1024xf32, #tpu.memory_space<hbm>> -> memref<8x1024xf32, #tpu.memory_space<hbm>>
      %dma_wait3A_297 = arith.constant 0 : i32
      %dma_wait3A_298 = arith.constant 0 : i32
      %dma_wait3A_299 = tpu.memref_slice %arg5[%select_n3A_266, %dma_wait3A_297, %dma_wait3A_298] : memref<10x8x1024xf32, #tpu.memory_space<vmem>> -> memref<1x8x1024xf32, #tpu.memory_space<vmem>>
      %dma_wait3A_300 = tpu.memref_squeeze %dma_wait3A_299 : memref<1x8x1024xf32, #tpu.memory_space<vmem>> -> memref<8x1024xf32, #tpu.memory_space<vmem>>
      tpu.wait_dma2 semaphore(%dma_wait3A_293 : memref<!tpu.dma_semaphore, #tpu.memory_space<semaphore_mem>>) src(%dma_wait3A_300 : memref<8x1024xf32, #tpu.memory_space<vmem>>) dst(%dma_wait3A_296 : memref<8x1024xf32, #tpu.memory_space<hbm>>)
    }
    %scan3A_219 = arith.constant 10 : i32
    return
  }
}

</mosaic_0001>

<sc_bundles>
// kernel: kernel.3.cloned.1.call-start
scs
__scs_entry_jumppad:
0x0: {  	(pc) =	sbr.rel $0x88, $3  }
0x1: {  	(tag) =	ssettag $0x0;
	lr =	simm.s32 $0x1  }
0x2: {  	[smem:$0x3F9F] =	sst lr;
	_ =	strace $0xD0000000  }
0x3: {  	_ = 	snop  }
0x4: {  	_ = 	snop  }
0x5: {  	_ = 	snop  }
0x6: {  	_ = 	snop  }
0x7: {  	_ = 	snop  }
__scs_overlays_trampoline_lowered:
0x8: {  	[smem:$0x3FAE] =	sst s0  }
0x9: {  	[smem:$0x3FAF] =	sst s1  }
0xa: {  	[smem:$0x3FB0] =	sst s2  }
0xb: {  	[smem:$0x3FB1] =	sst s3  }
0xc: {  	[smem:$0x3FB2] =	sst s4  }
0xd: {  	[smem:$0x3FB3] =	sst s5  }
0xe: {  	[smem:$0x3FB4] =	sst s6  }
0xf: {  	[smem:$0x3FB5] =	sst s7  }
0x10: {  	[smem:$0x3FB6] =	sst s8  }
0x11: {  	[smem:$0x3FB7] =	sst s9;
	s0 =	simm.s32 @!p0 $0x0  }
0x12: {  	s1 =	sld [smem:$0x3F9D];
	s0 =	simm.s32 @p0 $0x1  }
0x13: {  	[smem:$0x3FB8] =	sst s0;
	s0 =	simm.s32 @!p1 $0x0  }
0x14: {  	s2 =	sld [smem:$0x3F9C];
	s0 =	simm.s32 @p1 $0x1  }
0x15: {  	[smem:$0x3FB9] =	sst s0;
	s0 =	simm.s32 @!p2 $0x0  }
0x16: {  	s3 =	sld [smem:$0x3FDB];
	s0 =	simm.s32 @p2 $0x1  }
0x17: {  	s4 =	simm.s32 $0x1BF5;
	[smem:$0x3FBB] =	sst s0  }
0x18: {  	s0 =	sld [smem:$0x3F9E];
	_ =	swait.ge [sflag:s4], $0x0  }
0x19: {  	s7 =	sld [smem:$0x3F9F]  }
0x1a: {  	s8 =	sadd.s32 $0xFFFFE003, lr  }
0x1b: {  	s9 =	sadd.s32 $0xFFFFFEF7, lr;
	s5 =	simm.s32 $0xFFFFFFFF;
	p2 =	slt.u32 s8, $0xFFFFF086  }
0x1c: {  	p1 =	slt.u32 s9, $0xF7A;
	s5 =	simm.s32 @!p2 $0x0  }
0x1d: {  	s5 =	simm.s32 @p1 $0x1;
	p0 =	seq.s32 s7, s2  }
0x1e: {  	s7 =	smul.u32 @!p0 $0xF7A, s2;
	p2 =	seq.s32 @!p0 s5, $0x0  }
0x1f: {  	s9 =	smul.u32 $0xF7A, s1;
	s8 =	simm.s32 @!p0 $0x1BF5;
	p2 =	por !p2, p0  }
0x20: {  	[sflag:s8] =	ssyncset.s32 @!p0 $0xFFFFF086;
	s6 =	sadd.s32 @!p0 s3, s7;
	s7 =	simm.s32 @!p0 $0x108  }
0x21: {  	s3 =	sadd.s32 s3, s9;
	s6 =	sadd.s32 @!p0 $0x88, s6;
	s7 =	simm.s32 @p2 $0x1082  }
0x22: {  	[simem:s7], [sflag:s8] =	dma.local @!p0 [hbm:s6], $0xF7A  }
0x23: {  	s9 =	sor.u32 $0xD0000000, s2;
	s6 =	simm.s32 $0x108;
	_ =	swait.ge @!p0 [sflag:s8], $0x0  }
0x24: {  	s3 =	sadd.s32 $0x88, s3;
	s6 =	simm.s32 @!p1 $0x1082;
	[sflag:s4] =	ssyncset.s32 $0xFFFFF086  }
0x25: {  	[simem:s6], [sflag:s4] =	dma.local [hbm:s3], $0xF7A  }
0x26: {  	[smem:$0x3F9F] =	sst s1;
	(tag) =	ssettag s2;
	_ =	strace s9  }
0x27: {  	s1 =	sld [smem:$0x3FAF]  }
0x28: {  	s2 =	sld [smem:$0x3FB0]  }
0x29: {  	s4 =	sld [smem:$0x3FB2]  }
0x2a: {  	p0 =	seq.s32 s5, $0x0;
	s5 =	sld [smem:$0x3FB3]  }
0x2b: {  	s6 =	sld [smem:$0x3FB4]  }
0x2c: {  	s7 =	sld [smem:$0x3FB5]  }
0x2d: {  	s3 =	simm.s32 $0x108;
	s8 =	sld [smem:$0x3FB6]  }
0x2e: {  	s3 =	simm.s32 @!p0 $0x1082;
	s9 =	sld [smem:$0x3FB7]  }
0x2f: {  	lr =	sadd.s32 s0, s3;
	s0 =	sld [smem:$0x3FAE]  }
0x30: {  	s3 =	sld [smem:$0x3FB1]  }
0x31: {  	[smem:$0x3FBA] =	sst s10  }
0x32: {  	s10 =	sld [smem:$0x3FB8];
	_ =	sdelay $0x3  }
0x33: {  	p0 =	seq.s32 s10, $0x1;
	s10 =	sld [smem:$0x3FBA];
	_ =	sdelay $0x3  }
0x34: {  	[smem:$0x3FBA] =	sst s10  }
0x35: {  	s10 =	sld [smem:$0x3FB9];
	_ =	sdelay $0x3  }
0x36: {  	p1 =	seq.s32 s10, $0x1;
	s10 =	sld [smem:$0x3FBA];
	_ =	sdelay $0x3  }
0x37: {  	[smem:$0x3FBA] =	sst s10  }
0x38: {  	s10 =	sld [smem:$0x3FBB]  }
0x39: {  	_ = 	snop;
	(pc) =	sbr.ind lr, $3  }
0x3a: {  	_ = 	snop  }
0x3b: {  	_ = 	snop  }
0x3c: {  	p2 =	seq.s32 s10, $0x1;
	s10 =	sld [smem:$0x3FBA]  }
0x3d: {  	_ =	shalt  }
0x3e: {  	_ =	shalt  }
0x3f: {  	_ =	shalt  }
0x40: {  	_ =	shalt  }
0x41: {  	_ =	shalt  }
0x42: {  	_ =	shalt  }
0x43: {  	_ =	shalt  }
0x44: {  	_ =	shalt  }
0x45: {  	_ =	shalt  }
0x46: {  	_ =	shalt  }
0x47: {  	_ =	shalt  }
0x48: {  	_ =	shalt  }
0x49: {  	_ =	shalt  }
0x4a: {  	_ =	shalt  }
0x4b: {  	_ =	shalt  }
0x4c: {  	_ =	shalt  }
0x4d: {  	_ =	shalt  }
0x4e: {  	_ =	shalt  }
0x4f: {  	_ =	shalt  }
0x50: {  	_ =	shalt  }
0x51: {  	_ =	shalt  }
0x52: {  	_ =	shalt  }
0x53: {  	_ =	shalt  }
0x54: {  	_ =	shalt  }
0x55: {  	_ =	shalt  }
0x56: {  	_ =	shalt  }
0x57: {  	_ =	shalt  }
0x58: {  	_ =	shalt  }
0x59: {  	_ =	shalt  }
0x5a: {  	_ =	shalt  }
0x5b: {  	_ =	shalt  }
0x5c: {  	_ =	shalt  }
0x5d: {  	_ =	shalt  }
0x5e: {  	_ =	shalt  }
0x5f: {  	_ =	shalt  }
0x60: {  	_ =	shalt  }
0x61: {  	_ =	shalt  }
0x62: {  	_ =	shalt  }
0x63: {  	_ =	shalt  }
0x64: {  	_ =	shalt  }
0x65: {  	_ =	shalt  }
0x66: {  	_ =	shalt  }
0x67: {  	_ =	shalt  }
0x68: {  	_ =	shalt  }
0x69: {  	_ =	shalt  }
0x6a: {  	_ =	shalt  }
0x6b: {  	_ =	shalt  }
0x6c: {  	_ =	shalt  }
0x6d: {  	_ =	shalt  }
0x6e: {  	_ =	shalt  }
0x6f: {  	_ =	shalt  }
0x70: {  	_ =	shalt  }
0x71: {  	_ =	shalt  }
0x72: {  	_ =	shalt  }
0x73: {  	_ =	shalt  }
0x74: {  	_ =	shalt  }
0x75: {  	_ =	shalt  }
0x76: {  	_ =	shalt  }
0x77: {  	_ =	shalt  }
0x78: {  	_ =	shalt  }
0x79: {  	_ =	shalt  }
0x7a: {  	_ =	shalt  }
0x7b: {  	_ =	shalt  }
0x7c: {  	_ =	shalt  }
0x7d: {  	_ =	shalt  }
0x7e: {  	_ =	shalt  }
0x7f: {  	_ =	shalt  }
0x80: {  	_ =	shalt  }
0x81: {  	_ =	shalt  }
0x82: {  	_ =	shalt  }
0x83: {  	_ =	shalt  }
0x84: {  	_ =	shalt  }
0x85: {  	_ =	shalt  }
0x86: {  	_ =	shalt  }
0x87: {  	_ =	shalt  }
.Lfunc_end0:
.L_simem_size_0:
called_computation_lowered:
.L_overlay_start_0:
0x88: {  	s2 =	sld [smem:$0x3FD9]  }
0x89: {  	s3 =	sld [smem:$0x3FFE];
	_ =	sdelay $0x1  }
0x8a: {  	s1 =	srdreg.scid  }
0x8b: {  	s0 =	sand.u32 $0x1, s1  }
0x8c: {  	s18 =	sshll.u32 s0, $0xA;
	s2 =	sadd.s32 s3, s2  }
0x8d: {  	s2 =	sadd.s32 s2, s18  }
0x8e: {  	[smem:$0x3FC6] =	sst s2  }
0x8f: {  	_ = 	snop  }
0x90: {  	s2 =	sld [smem:$0x3FC9]  }
0x91: {  	s19 =	sld [smem:$0x3FC8]  }
0x92: {  	s4 =	sld [smem:$0x3FD0];
	(tm) =	ssettm $0x1  }
0x93: {  	s5 =	sld [smem:$0x3FFB];
	_ =	sdelay $0x3  }
0x94: {  	_ =	strace s5  }
0x95: {  	s5 =	sld [smem:$0x3FFC];
	_ =	sdelay $0x3  }
0x96: {  	_ =	strace s5  }
0x97: {  	s5 =	sld [smem:$0x3FFD];
	_ =	sdelay $0x3  }
0x98: {  	_ =	strace s5  }
0x99: {  	_ =	strace $0x8FFFFFFF  }
0x9a: {  	s20 =	sld [smem:$0x3FDB];
	_ =	sdelay $0x1  }
0x9b: {  	s6 =	simm.s32 $_scs_section_size  }
0x9c: {  	s7 =	simm.s32 $_size__tile_overlayer_lowered;
	s8 =	simm.s32 $_tile_overlayer_lowered  }
0x9d: {  	s23 =	simm.s32 $0x1BFF;
	s22 =	sshll.u32 s8, $0x1;
	s5 =	sadd.s32 s6, s20  }
0x9e: {  	s9 =	simm.s32 $0x0;
	s21 =	sshll.u32 s7, $0x1;
	s7 =	sadd.s32 s22, s5  }
0x9f: {  	[timem:s9], [sflag:s23] =	dma.local [hbm:s7], s21  }
0xa0: {  	_ =	swait.ge [sflag:s23], s21  }
0xa1: {  	s6 =	ssub.s32 $0x0, s21;
	[sflag:s23] =	ssyncset.done $0x0  }
0xa2: {  	[sflag:s23] =	ssyncadd.s32 s6;
	_ =	sdelay $0x1  }
0xa3: {  	s24 =	simm.s32 $0x1B8B  }
0xa4: {  	_ =	swait.ge [sflag:s24], $0x1  }
0xa5: {  	[sflag:s24] =	ssyncset.done $0x0  }
0xa6: {  	s25 =	simm.s32 $0x1B8E;
	[sflag:s24] =	ssyncadd.s32 $0xFFFFFFFF  }
0xa7: {  	s26 =	simm.s32 $execute0_lowered;
	[smem:$0x3FD2] =	sst s25  }
0xa8: {  	s6 =	sshll.u32 s26, $0x1;
	_ =	strace $0x80000046;
	[dreg:$0x1] =	wrdreg $0xFFFFFFFF  }
0xa9: {  	s28 =	simm.s32 $_size_execute0_lowered;
	s5 =	sadd.s32 s5, s6;
	[dreg:$0x0] =	wrdreg $0x0  }
0xaa: {  	s6 =	sshll.u32 s28, $0x1;
	[dreg:$0x2] =	wrdreg s5  }
0xab: {  	[dreg:$0x3] =	wrdreg s6  }
0xac: {  	[dreg:$0x4] =	wrdreg $0xC0  }
0xad: {  	_ =	task [dreg:s9], $0x5FFFF  }
0xae: {  	[dreg:$0x1] =	wrdreg $0xFFFFFFFF  }
0xaf: {  	[dreg:$0x0] =	wrdreg $0x60  }
0xb0: {  	[dreg:$0x2] =	wrdreg s2  }
0xb1: {  	[dreg:$0x3] =	wrdreg s19  }
0xb2: {  	[dreg:$0x4] =	wrdreg s4  }
0xb3: {  	[dreg:$0x5] =	wrdreg $0x9  }
0xb4: {  	_ =	task.clear_ibuf [dreg:s9], $0x6FFFF;
	_ =	strace $0x90000046  }
0xb5: {  	s29 =	simm.s32 $0x9;
	_ =	strace $0x80000048  }
0xb6: {  	_ =	swait.ge [sflag:s29], $0x1  }
0xb7: {  	[sflag:s29] =	ssyncadd.s32 $0xFFFFFFFF  }
0xb8: {  	_ =	strace $0x90000048  }
0xb9: {  	_ =	sfence  }
0xba: {  	s30 =	sld [smem:$0x0];
	_ =	sdelay $0x2  }
0xbb: {  	s31 =	sshll.u32 s1, $0xD;
	s1 =	sshrl.u32 s1, $0x2  }
0xbc: {  	s3 =	sand.u32 $0x4000, s31;
	s1 =	sadd.s32 s1, s30  }
0xbd: {  	s0 =	sor.u32 s3, s0;
	s1 =	sshll.u32 s1, $0x11  }
0xbe: {  	s0 =	sor.u32 s1, s0  }
0xbf: {  	s0 =	sadd.s32 $0x8F2B, s0  }
0xc0: {  	[sflag:s0] =	ssyncadd.remote.s32 $0x1  }
0xc1: {  	_ =	sfence.sel $0xFFFF  }
0xc2: {  	[dreg:$0x0] =	wrdreg $0xFFFFFFFF;
	(pc) =	sbr.abs _section_cstart, $3  }
0xc3: {  	[dreg:$0x1] =	wrdreg $0xFFFFFFFF  }
0xc4: {  	_ =	task.clear_ibuf [dreg:s9], $0x2FFFF;
	_ =	strace $0x9FFFFFFF  }
0xc5: {  	(tm) =	ssettm $0x7FFFFFFF  }
tec
execute0_lowered:
.L_overlay_start_1:
0x0: {  	(tag) =	ssettag $0x1  }
0x1: {  	s1 =	rddreg [dreg:$0x0]  }
0x2: {  	s3 =	rddreg [dreg:$0x1];
	s0 =	srdreg.scid  }
0x3: {  	s4 =	rddreg [dreg:$0x2];
	s2 =	stileid.u32;
	s0 =	sand.u32 $0x1, s0  }
0x4: {  	s5 =	simm.s32 $0x0;
	s2 =	sshll.u32 s2, $0x7;
	s6 =	sshll.u32 s0, $0x6  }
0x5: {  	s28 =	simm.s32 $0xD;
	s29 =	simm.s32 $0xE;
	s2 =	sor.u32 s6, s2  }
0x6: {  	s30 =	simm.s32 $0xF;
	s31 =	simm.s32 $0x10;
	s7 =	sshll.u32 s2, $0x7  }
0x7: {  	[smem:$0x7FF] =	sst s5;
	s18 =	sadd.s32 s3, s7;
	s7 =	sadd.s32 s1, s7  }
0x8: {  	_ =	strace $0x80000047;
	[dreg:$0x4] =	wrdreg s18;
	s19 =	sadd.s32 $0x40000, s7  }
0x9: {  	s0 =	ssub.s32 $0x2, s0;
	s20 =	sadd.s32 $0x80000, s7;
	[dreg:$0x5] =	wrdreg s19  }
0xa: {  	s17 =	sshrl.u32 s0, $0x1;
	s21 =	sadd.s32 $0xC0000, s7;
	[dreg:$0x6] =	wrdreg s20  }
0xb: {  	s0 =	ssub.s32 s0, s17;
	s22 =	sadd.s32 $0x400, s7;
	[dreg:$0x7] =	wrdreg s21  }
0xc: {  	s16 =	sshrl.u32 s2, $0x3;
	s23 =	sadd.s32 $0x40400, s7;
	[dreg:$0x8] =	wrdreg s22  }
0xd: {  	s2 =	simm.s32 $0x12;
	s24 =	sadd.s32 $0x80400, s7;
	[dreg:$0x9] =	wrdreg s23  }
0xe: {  	s17 =	smax.u32 s0, $0x1;
	s25 =	sadd.s32 $0xC0400, s7;
	[dreg:$0xa] =	wrdreg s24  }
0xf: {  	s0 =	simm.s32 $0x11;
	s26 =	sadd.s32 $0x800, s7;
	[dreg:$0xb] =	wrdreg s25  }
0x10: {  	s18 =	simm.s32 $0x13;
	[dreg:$0xc] =	wrdreg s26;
	s19 =	simm.s32 $0x14  }
0x11: {  	s20 =	simm.s32 $0xB;
	s21 =	simm.s32 $0xC;
	s22 =	simm.s32 $0x0  }
.LBB2_1:
0x12: {  	s6 =	rddreg [dreg:$0x4];
	s8 =	simm.s32 $0x14000  }
0x13: {  	[tilespmem:s8], [sflag:$0x15] =	stream.linear.gather [hbm4b:s6+s5], $0x2000, $0x38;
	[tilespmem:$0x1A000] =	vst v63  }
0x14: {  	_ = 	snop  }
0x15: {  	[tilespmem:s5], [sflag:$0x1] =	stream.linear.gather [hbm4b:s7+s5], $0x2000, $0x38;
	[tilespmem:$0x1A000] =	vst v63  }
0x16: {  	s23 =	rddreg [dreg:$0x5];
	s24 =	simm.s32 $0x2000  }
0x17: {  	[tilespmem:s24], [sflag:$0x2] =	stream.linear.gather [hbm4b:s23+s5], $0x2000, $0x38;
	[tilespmem:$0x1A000] =	vst v63  }
0x18: {  	s25 =	rddreg [dreg:$0x6];
	s26 =	simm.s32 $0x4000  }
0x19: {  	[tilespmem:s26], [sflag:$0x3] =	stream.linear.gather [hbm4b:s25+s5], $0x2000, $0x38;
	[tilespmem:$0x1A000] =	vst v63  }
0x1a: {  	s9 =	simm.s32 $0x6000;
	s8 =	rddreg [dreg:$0x7]  }
0x1b: {  	[tilespmem:s9], [sflag:$0x4] =	stream.linear.gather [hbm4b:s8+s5], $0x2000, $0x38;
	[tilespmem:$0x1A000] =	vst v63  }
0x1c: {  	s10 =	rddreg [dreg:$0x8];
	s11 =	simm.s32 $0x8000  }
0x1d: {  	[tilespmem:s11], [sflag:$0x5] =	stream.linear.gather [hbm4b:s10+s5], $0x2000, $0x38;
	[tilespmem:$0x1A000] =	vst v63  }
0x1e: {  	s12 =	rddreg [dreg:$0x9];
	s13 =	simm.s32 $0xA000  }
0x1f: {  	[tilespmem:s13], [sflag:$0x6] =	stream.linear.gather [hbm4b:s12+s5], $0x2000, $0x38;
	[tilespmem:$0x1A000] =	vst v63  }
0x20: {  	s14 =	rddreg [dreg:$0xa];
	s15 =	simm.s32 $0xC000  }
0x21: {  	[tilespmem:s15], [sflag:$0x7] =	stream.linear.gather [hbm4b:s14+s5], $0x2000, $0x38;
	[tilespmem:$0x1A000] =	vst v63  }
0x22: {  	s23 =	rddreg [dreg:$0xb];
	s24 =	simm.s32 $0xE000  }
0x23: {  	[tilespmem:s24], [sflag:$0x8] =	stream.linear.gather [hbm4b:s23+s5], $0x2000, $0x38;
	[tilespmem:$0x1A000] =	vst v63  }
0x24: {  	s25 =	rddreg [dreg:$0xc];
	s26 =	simm.s32 $0x10000;
	s23 =	simm.s32 $0x0  }
0x25: {  	[tilespmem:s26], [sflag:$0x9] =	stream.linear.gather [hbm4b:s25+s5], $0x2000, $0x38;
	[tilespmem:$0x1A000] =	vst v63  }
.LBB2_2:
0x26: {  	s25 =	sand.u32 $0x3, s23  }
0x27: {  	s24 =	sshrl.u32 s23, $0x2;
	p1 =	sne.s32 s25, $0x0  }
0x28: {  	s6 =	smul.u32 @!p1 $0xAB, s24;
	p0 =	sgt.u32 @!p1 s23, $0x1B  }
0x29: {  	p0 =	por p0, p1  }
0x2a: {  	s6 =	sshrl.u32 @!p1 s6, $0x9;
	s8 =	sadd.s32 @!p0 $0x1, s24  }
0x2b: {  	s6 =	sand.u32 @!p1 $0x7F, s6;
	s9 =	smul.u32 @!p0 $0xAB, s8  }
0x2c: {  	s6 =	smul.u32 @!p1 $0x3, s6  }
0x2d: {  	s9 =	sshrl.u32 @!p0 s9, $0x9  }
0x2e: {  	s6 =	ssub.s32 @!p1 s24, s6;
	s9 =	sand.u32 @!p0 $0x7F, s9  }
0x2f: {  	s6 =	sand.u32 @!p1 $0xFF, s6;
	s9 =	smul.u32 @!p0 $0x3, s9  }
0x30: {  	s11 =	smul.u32 $0xCD, s23;
	s10 =	simm.s32 @!p0 $0x0;
	s6 =	sadd.s32 @!p1 $0x15, s6  }
0x31: {  	_ =	swait.ge @!p1 [sflag:s6], $0x2000;
	s9 =	ssub.s32 @!p0 s8, s9;
	s8 =	sadd.s32 @!p0 s16, s8  }
0x32: {  	[sflag:s6] =	ssyncset.done @!p1 $0x0;
	s9 =	sand.u32 @!p0 $0xFF, s9;
	s8 =	sshll.u32 @!p0 s8, $0xA  }
0x33: {  	[sflag:s6] =	ssyncadd.s32 @!p1 $0xFFFFE000;
	s6 =	sshll.u32 @!p0 s9, $0xD;
	s8 =	sand.u32 @!p0 $0x1FFFFC00, s8  }
0x34: {  	s9 =	sadd.s32 @!p0 $0x15, s9;
	s6 =	sadd.s32 @!p0 $0x14000, s6;
	s8 =	sadd.s32 @!p0 s3, s8  }
0x35: {  	[tilespmem:s6], [sflag:s9] =	stream.linear.gather @!p0 [hbm4b:s8+s10], $0x2000, $0x38;
	[tilespmem:$0x1A000] =	vst v63  }
0x36: {  	s10 =	sshrl.u32 s11, $0xB  }
0x37: {  	s11 =	smulhi.u32 $0x55555556, s24;
	s6 =	sand.u32 $0x1F, s10  }
0x38: {  	s6 =	smul.u32 $0xA, s6  }
0x39: {  	s8 =	smul.u32 $0x3, s11  }
0x3a: {  	s6 =	ssub.s32 s23, s6  }
0x3b: {  	s12 =	ssub.s32 s24, s8;
	s26 =	sand.u32 $0xFF, s6  }
0x3c: {  	s8 =	simm.s32 $0x0;
	s6 =	sshll.u32 s12, $0xD;
	s13 =	sadd.s32 $0x1, s26  }
0x3d: {  	s14 =	sand.u32 $0x1C00, s8;
	s9 =	sadd.s32 $0x14000, s6;
	_ =	swait.ge [sflag:s13], $0x2000  }
0x3e: {  	s12 =	sand.u32 $0x380, s8;
	s6 =	sadd.s32 s14, s9;
	[sflag:s13] =	ssyncset.done $0x0  }
0x3f: {  	[sflag:s13] =	ssyncadd.s32 $0xFFFFE000;
	s13 =	sadd.s32 s12, s6  }
0x40: {  	v0 =	vld [tilespmem:s13+$0x70]  }
0x41: {  	v3 =	vld [tilespmem:s13+$0x0]  }
0x42: {  	v4 =	vld [tilespmem:s13+$0x10]  }
0x43: {  	v5 =	vld [tilespmem:s13+$0x20]  }
0x44: {  	s6 =	sshll.u32 s26, $0xD;
	v6 =	vld [tilespmem:s13+$0x30]  }
0x45: {  	s15 =	sadd.s32 s14, s6;
	v2 =	vld [tilespmem:s13+$0x40]  }
0x46: {  	v1 =	vld [tilespmem:s13+$0x50];
	s10 =	sadd.s32 s12, s15  }
0x47: {  	[tilespmem:s10+$0x70] =	vst.add.f32.msk $0xffff, v0  }
0x48: {  	v0 =	vld [tilespmem:s13+$0x60]  }
0x49: {  	[tilespmem:s10+$0x0] =	vst.add.f32.msk $0xffff, v3  }
0x4a: {  	[tilespmem:s10+$0x10] =	vst.add.f32.msk $0xffff, v4  }
0x4b: {  	[tilespmem:s10+$0x20] =	vst.add.f32.msk $0xffff, v5  }
0x4c: {  	s11 =	simm.s32 $0x0;
	s12 =	simm.s32 $0x400;
	[tilespmem:s10+$0x30] =	vst.add.f32.msk $0xffff, v6  }
.LBB2_3:
0x4d: {  	s13 =	sand.u32 $0x1C00, s12;
	s11 =	sadd.s32 $0x8, s11;
	[tilespmem:s10+$0x40] =	vst.add.f32.msk $0xffff, v2;
	s8 =	sadd.s32 $0x10, s8  }
0x4e: {  	s14 =	sand.u32 $0x380, s8;
	s15 =	sadd.s32 s13, s9;
	p0 =	slt.u32 s11, $0x1F8;
	[tilespmem:s10+$0x50] =	vst.add.f32.msk $0xffff, v1  }
0x4f: {  	s15 =	sadd.s32 s14, s15;
	[tilespmem:s10+$0x60] =	vst.add.f32.msk $0xffff, v0  }
0x50: {  	v0 =	vld [tilespmem:s15+$0x70]  }
0x51: {  	v3 =	vld [tilespmem:s15+$0x0]  }
0x52: {  	v4 =	vld [tilespmem:s15+$0x10]  }
0x53: {  	s10 =	sadd.s32 s13, s6;
	v5 =	vld [tilespmem:s15+$0x20]  }
0x54: {  	s10 =	sadd.s32 s14, s10;
	v6 =	vld [tilespmem:s15+$0x30]  }
0x55: {  	[tilespmem:s10+$0x70] =	vst.add.f32.msk $0xffff, v0  }
0x56: {  	v2 =	vld [tilespmem:s15+$0x40]  }
0x57: {  	v1 =	vld [tilespmem:s15+$0x50]  }
.Ltmp0:
0x58: {  	v0 =	vld [tilespmem:s15+$0x60];
	(pc) =	sbr.rel @p0 .LBB2_3-.Ltmp0, $4  }
0x59: {  	[tilespmem:s10+$0x0] =	vst.add.f32.msk $0xffff, v3  }
0x5a: {  	[tilespmem:s10+$0x10] =	vst.add.f32.msk $0xffff, v4  }
0x5b: {  	[tilespmem:s10+$0x20] =	vst.add.f32.msk $0xffff, v5  }
0x5c: {  	s12 =	sadd.s32 $0x400, s12;
	[tilespmem:s10+$0x30] =	vst.add.f32.msk $0xffff, v6  }
0x5d: {  	p0 =	sgt.u32 s23, $0x16  }
0x5e: {  	p1 =	seq.s32 @!p0 s23, $0x0  }
0x5f: {  	p1 =	por p1, p0  }
0x60: {  	[tilespmem:s10+$0x40] =	vst.add.f32.msk $0xffff, v2;
	s8 =	sshll.u32 s25, $0x12;
	s9 =	sadd.s32 s16, s24;
	s11 =	sadd.s32 @!p1 $0xFFFFFFFF, s23  }
0x61: {  	[tilespmem:s10+$0x50] =	vst.add.f32.msk $0xffff, v1;
	s9 =	sshll.u32 s9, $0xA;
	s8 =	sadd.s32 s4, s8;
	s12 =	sand.u32 @!p1 $0xFF, s11  }
0x62: {  	[tilespmem:s10+$0x60] =	vst.add.f32.msk $0xffff, v0;
	s26 =	sadd.s32 $0xB, s26;
	s8 =	sadd.s32 s9, s8;
	s10 =	smul.u32 @!p1 $0xCD, s12  }
0x63: {  	[hbm4b:s8+s5] =	stream.linear.scatter [tilespmem:s6], [sflag:s26], $0x2000, $0x38;
	[tilespmem:$0x1A000] =	vst v63  }
0x64: {  	s6 =	sshrl.u32 @!p1 s10, $0xB  }
0x65: {  	s8 =	sadd.s32 $0x9, s23;
	s6 =	smul.u32 @!p1 $0xA, s6  }
0x66: {  	s9 =	smul.u32 @!p0 $0xCD, s8  }
0x67: {  	s6 =	ssub.s32 @!p1 s11, s6  }
0x68: {  	s9 =	sshrl.u32 @!p0 s9, $0xB;
	s6 =	sand.u32 @!p1 $0xFF, s6  }
0x69: {  	s9 =	sand.u32 @!p0 $0x1F, s9;
	s6 =	sadd.s32 @!p1 $0xB, s6  }
0x6a: {  	s9 =	smul.u32 @!p0 $0xA, s9;
	_ =	swait.ge @!p1 [sflag:s6], $0x2000  }
0x6b: {  	s23 =	sadd.s32 $0x1, s23;
	s10 =	sshrl.u32 @!p0 s8, $0x2;
	[sflag:s6] =	ssyncset.done @!p1 $0x0  }
0x6c: {  	[sflag:s6] =	ssyncadd.s32 @!p1 $0xFFFFE000;
	s6 =	sshll.u32 @!p0 s8, $0x12;
	s8 =	ssub.s32 @!p0 s8, s9  }
0x6d: {  	s9 =	sadd.s32 @!p0 s16, s10;
	s6 =	sand.u32 @!p0 $0xC0000, s6;
	s8 =	sand.u32 @!p0 $0xFF, s8  }
0x6e: {  	s9 =	sshll.u32 @!p0 s9, $0xA;
	s10 =	sshll.u32 @!p0 s8, $0xD;
	s6 =	sadd.s32 @!p0 s1, s6  }
0x6f: {  	s8 =	sadd.s32 @!p0 $0x1, s8;
	s6 =	sadd.s32 @!p0 s9, s6;
	s9 =	simm.s32 @!p0 $0x0  }
0x70: {  	[tilespmem:s10], [sflag:s8] =	stream.linear.gather @!p0 [hbm4b:s6+s9], $0x2000, $0x38;
	[tilespmem:$0x1A000] =	vst v63  }
0x71: {  	p0 =	sne.s32 s23, $0x20  }
.Ltmp1:
0x72: {  	_ = 	snop;
	(pc) =	sbr.rel @p0 .LBB2_2-.Ltmp1, $1  }
0x73: {  	_ =	sdelay $0x3  }
0x74: {  	_ =	swait.ge [sflag:s28], $0x2000  }
0x75: {  	[sflag:s28] =	ssyncset.done $0x0  }
0x76: {  	[sflag:s28] =	ssyncadd.s32 $0xFFFFE000  }
0x77: {  	_ =	swait.ge [sflag:s29], $0x2000  }
0x78: {  	[sflag:s29] =	ssyncset.done $0x0  }
0x79: {  	[sflag:s29] =	ssyncadd.s32 $0xFFFFE000  }
0x7a: {  	_ =	swait.ge [sflag:s30], $0x2000  }
0x7b: {  	[sflag:s30] =	ssyncset.done $0x0  }
0x7c: {  	[sflag:s30] =	ssyncadd.s32 $0xFFFFE000  }
0x7d: {  	_ =	swait.ge [sflag:s31], $0x2000  }
0x7e: {  	[sflag:s31] =	ssyncset.done $0x0  }
0x7f: {  	[sflag:s31] =	ssyncadd.s32 $0xFFFFE000  }
0x80: {  	_ =	swait.ge [sflag:s0], $0x2000  }
0x81: {  	[sflag:s0] =	ssyncset.done $0x0  }
0x82: {  	[sflag:s0] =	ssyncadd.s32 $0xFFFFE000  }
0x83: {  	_ =	swait.ge [sflag:s2], $0x2000  }
0x84: {  	[sflag:s2] =	ssyncset.done $0x0  }
0x85: {  	[sflag:s2] =	ssyncadd.s32 $0xFFFFE000  }
0x86: {  	_ =	swait.ge [sflag:s18], $0x2000  }
0x87: {  	[sflag:s18] =	ssyncset.done $0x0  }
0x88: {  	[sflag:s18] =	ssyncadd.s32 $0xFFFFE000  }
0x89: {  	_ =	swait.ge [sflag:s19], $0x2000  }
0x8a: {  	[sflag:s19] =	ssyncset.done $0x0  }
0x8b: {  	s22 =	sadd.s32 $0x1, s22;
	[sflag:s19] =	ssyncadd.s32 $0xFFFFE000  }
0x8c: {  	p0 =	sne.s32 s22, s17;
	_ =	swait.ge [sflag:s20], $0x2000  }
.Ltmp2:
0x8d: {  	[sflag:s20] =	ssyncset.done $0x0;
	(pc) =	sbr.rel @p0 .LBB2_1-.Ltmp2, $4  }
0x8e: {  	[sflag:s20] =	ssyncadd.s32 $0xFFFFE000  }
0x8f: {  	_ =	swait.ge [sflag:s21], $0x2000  }
0x90: {  	[sflag:s21] =	ssyncset.done $0x0  }
0x91: {  	[sflag:s21] =	ssyncadd.s32 $0xFFFFE000  }
0x92: {  	_ =	sfence.sel $0x180000  }
0x93: {  	[bflag:$0x0] =	sbarrier.arrive $0xFFFF  }
0x94: {  	_ =	strace $0x90000047  }
0x95: {  	s0 =	stileid.u32;
	[bflag:$0x2] =	sbarrier.arrive $0xFFFF  }
0x96: {  	p0 =	sne.s32 s0, $0x0;
	s0 =	rddreg [dreg:$0x3]  }
0x97: {  	s0 =	sadd.s32 @!p0 $0x100000, s0  }
0x98: {  	[sflag:s0] =	ssyncadd.tile.s32 @!p0 $0x1;
	_ =	shalt  }
.Lfunc_end2:
_tile_overlayer_lowered:
.L_overlay_start_2:
0x99: {  	(tag) =	ssettag $0x2  }
0x9a: {  	s0 =	rddreg [dreg:$0x0];
	s2 =	stileid.u32  }
0x9b: {  	s1 =	rddreg [dreg:$0x1];
	p0 =	sne.s32 s2, $0x0  }
0x9c: {  	s3 =	rddreg [dreg:$0x2];
	[bflag:$0x3] =	sbarrier.arrive $0xFFFF;
	s2 =	simm.s32 @!p0 $0x1C18  }
0x9d: {  	[timem:s3], [sflag:s2] =	dma.local @!p0 [hbm:s0], s1  }
0x9e: {  	s0 =	simm.s32 @!p0 $0x18  }
0x9f: {  	_ =	swait.ge @!p0 [sflag:s0], s1  }
0xa0: {  	s1 =	ssub.s32 @!p0 $0x0, s1;
	[sflag:s0] =	ssyncset.done @!p0 $0x0  }
0xa1: {  	[sflag:s0] =	ssyncadd.s32 @!p0 s1  }
0xa2: {  	[bflag:$0x3] =	sbarrier.arrive $0xFFFF  }
0xa3: {  	_ =	shalt  }

</sc_bundles>
